<compile_context>
chip_gen: v7x
topology: tpu7x:2x2x1
jax: 0.10.2.dev20260603
libtpu: 0.0.44.dev20260713+nightly
codegen_flags: <defaults>
</compile_context>

<pallas_src>
import functools
import math

import jax
import jax.numpy as jnp
from jax import lax
from jax.experimental import pallas as pl
from jax.experimental.pallas import tpu as pltpu
from jax.experimental.pallas import tpu_sc as plsc

B = 1024
S = 200
E = 128
C = 32
HALF = S // 2
NC = 2
NS = 16
NW = NC * NS
BPW = B // NW
NLG = E // 16


def _sc_body(table_h, idx_h, out_h, idx_v, buf0, buf1, buf2, buf3, out_v,
             sem0, sem1, sem2, sem3):
    wid = lax.axis_index("s") * NC + lax.axis_index("c")
    base = wid * BPW

    pltpu.sync_copy(idx_h.at[pl.ds(base * 2, 8)], idx_v.at[pl.ds(0, 8)])

    def start(b, buf, sem):
        r = 2 * b
        pltpu.async_copy(table_h.at[idx_v.at[r]], buf.at[pl.ds(0, HALF)], sem)
        pltpu.async_copy(table_h.at[idx_v.at[r + 1]], buf.at[pl.ds(HALF, HALF)], sem)

    def wait(buf, sem):
        pltpu.make_async_copy(table_h.at[pl.ds(0, S)], buf, sem).wait()

    def reduce_into(buf, b):
        def rbody(r, accs):
            return tuple(
                jnp.maximum(accs[g], buf[r, pl.ds(g * 16, 16)])
                for g in range(NLG)
            )
        accs = lax.fori_loop(
            0, S, rbody,
            tuple(jnp.full((16,), -jnp.inf, jnp.float32) for _ in range(NLG)),
            unroll=2,
        )
        for g in range(NLG):
            out_v[b, pl.ds(g * 16, 16)] = accs[g]

    bufs = (buf0, buf1, buf2, buf3)
    sems = (sem0, sem1, sem2, sem3)
    NB = len(bufs)

    start(0, bufs[0], sems[0])
    start(1, bufs[1], sems[1])
    pltpu.sync_copy(idx_h.at[pl.ds(base * 2 + 8, BPW * 2 - 8)],
                    idx_v.at[pl.ds(8, BPW * 2 - 8)])
    start(2, bufs[2], sems[2])
    start(3, bufs[3], sems[3])
    NJ = BPW // NB

    def jbody(j, carry):
        b0 = NB * j
        for k in range(NB):
            wait(bufs[k], sems[k])

            @pl.when(j < NJ - 1)
            def _():
                start(b0 + k + NB, bufs[k], sems[k])

            reduce_into(bufs[k], b0 + k)
        return carry

    lax.fori_loop(0, NJ, jbody, 0)
    pltpu.sync_copy(out_v, out_h.at[pl.ds(base, BPW)])


@functools.cache
def _sc_pool():
    return pl.kernel(
        _sc_body,
        out_type=jax.ShapeDtypeStruct((B, E), jnp.float32),
        mesh=plsc.VectorSubcoreMesh(core_axis_name="c", subcore_axis_name="s"),
        scratch_types=[
            pltpu.VMEM((BPW * 2, HALF), jnp.int32),
            pltpu.VMEM((S, E), jnp.float32),
            pltpu.VMEM((S, E), jnp.float32),
            pltpu.VMEM((S, E), jnp.float32),
            pltpu.VMEM((S, E), jnp.float32),
            pltpu.VMEM((BPW, E), jnp.float32),
            pltpu.SemaphoreType.DMA,
            pltpu.SemaphoreType.DMA,
            pltpu.SemaphoreType.DMA,
            pltpu.SemaphoreType.DMA,
        ],
    )


def _gnb_body(pooled_ref, means_ref, var_ref, priors_ref, out_ref):
    xp = pooled_ref[...]
    av = jnp.abs(var_ref[...])
    m = means_ref[...]
    w1 = 0.5 / av
    w2 = m / av
    dn = (((1,), (1,)), ((), ()))
    t = -0.5 * jnp.log(2.0 * math.pi * av) - m * m * w1
    bias = lax.dot_general(
        jnp.ones((1, E), jnp.float32), t, dn,
        preferred_element_type=jnp.float32,
        precision=lax.Precision.HIGHEST,
    ) + jnp.log(priors_ref[...])
    sq = lax.dot_general(xp * xp, w1, dn, preferred_element_type=jnp.float32,
                         precision=lax.Precision.HIGHEST)
    xm = lax.dot_general(xp, w2, dn, preferred_element_type=jnp.float32,
                         precision=lax.Precision.HIGHEST)
    logits = xm - sq + bias
    mx = jnp.max(logits, axis=1, keepdims=True)
    e = jnp.exp(logits - mx)
    out_ref[...] = e / jnp.sum(e, axis=1, keepdims=True)


_gnb = pl.pallas_call(
    _gnb_body,
    out_shape=jax.ShapeDtypeStruct((B, C), jnp.float32),
)


@jax.jit
def kernel(x, emb_table, means, variances, class_priors):
    pooled = _sc_pool()(emb_table, x.astype(jnp.int32).reshape(B * 2, HALF))
    return _gnb(pooled, means, variances, class_priors.reshape(1, C))

# --- scband reference (transcript-rebuilt; emitter-appended) ---
"""Pipeline reference for scband-text-glove-gnb-11682311045831 (READ-ONLY COPY).

The authoritative reference and input builder live on the scoring server;
editing this copy changes nothing except your own understanding.
"""

import jax, jax.numpy as jnp
import numpy as np

VOCAB = 100000
EMB = 128
SEQ = 200
BATCH = 1024
CLASSES = 32


def setup_inputs(seed: int = 0) -> dict:
    key = jax.random.key(seed)
    k1, k2, k3 = jax.random.split(key, 3)
    # token indices [batch, seq]
    x = jax.random.randint(k1, (BATCH, SEQ), 0, VOCAB, dtype=jnp.int64 if jax.config.jax_enable_x64 else jnp.int32)
    # frozen GloVe-style embedding table; padding_idx=0 row is zeroed (nn.Embedding padding_idx semantics)
    emb_table = jax.random.normal(k2, (VOCAB, EMB), dtype=jnp.float32)
    emb_table = emb_table.at[0].set(0.0)
    # GaussianNaiveBayes parameters per reset_parameters():
    #   means = eye(classes, features) (buffer), variances = 1 (parameter), class_priors ~ U(0,1) (parameter)
    means = jnp.eye(CLASSES, EMB, dtype=jnp.float32)
    variances = jnp.ones((CLASSES, EMB), dtype=jnp.float32)
    class_priors = jax.random.uniform(k3, (CLASSES,), dtype=jnp.float32, minval=0.01, maxval=1.0)
    return {"x": x, "emb_table": emb_table, "means": means, "variances": variances, "class_priors": class_priors}


def reference(x, emb_table, means, variances, class_priors):
    # embedding lookup (dropout is identity in eval mode)
    embedded = jnp.take(emb_table, x, axis=0)            # [B, S, E]
    # max-pool over sequence dimension
    embedded_x = jnp.max(embedded, axis=1)               # [B, E]
    # Gaussian Naive Bayes log-likelihood
    xe = embedded_x[:, None, :]                          # [B, 1, E]
    av = jnp.abs(variances)                              # [C, E]
    log_lik = jnp.sum(-0.5 * jnp.log(2.0 * np.pi * av) - (xe - means) ** 2 / av / 2.0, axis=-1)  # [B, C]
    gnb_out = log_lik + jnp.log(class_priors)            # [B, C]
    # config['opt'].augmented == False -> softmax output
    output = jax.nn.softmax(gnb_out, axis=-1)
    return output

if __name__ == "__main__":
    import jax
    _d = setup_inputs()
    print(jax.jit(kernel)(*tuple(_d.values())))

</pallas_src>

<mosaic_0001>
#map = affine_map<(d0, d1) -> (0, 0)>
module attributes {stable_mosaic.version = 14 : i64} {
  func.func @_sc_body(%arg0: i32, %arg1: i32, %arg2: memref<100000x128xf32, #tpu.memory_space<hbm>>, %arg3: memref<2048x100xi32, #tpu.memory_space<hbm>>, %arg4: memref<1024x128xf32, #tpu.memory_space<hbm>>, %arg5: memref<64x100xi32, #tpu.memory_space<vmem>>, %arg6: memref<200x128xf32, #tpu.memory_space<vmem>>, %arg7: memref<200x128xf32, #tpu.memory_space<vmem>>, %arg8: memref<200x128xf32, #tpu.memory_space<vmem>>, %arg9: memref<200x128xf32, #tpu.memory_space<vmem>>, %arg10: memref<32x128xf32, #tpu.memory_space<vmem>>, %arg11: memref<!tpu.dma_semaphore, #tpu.memory_space<semaphore_mem>>, %arg12: memref<!tpu.dma_semaphore, #tpu.memory_space<semaphore_mem>>, %arg13: memref<!tpu.dma_semaphore, #tpu.memory_space<semaphore_mem>>, %arg14: memref<!tpu.dma_semaphore, #tpu.memory_space<semaphore_mem>>) attributes {dimension_semantics = [#tpu.dimension_semantics<core_parallel>, #tpu.dimension_semantics<subcore_parallel>], iteration_bounds = array<i64: 2, 16>, scalar_prefetch = 0 : i64, scratch_operands = 10 : i64, tpu.core_type = #tpu.core_type<sc_vector_subcore>, window_params = [{transform_indices = #map}, {transform_indices = #map}, {transform_indices = #map}]} {
    %mul3A = arith.constant 2 : i32
    %mul3A_0 = arith.muli %arg1, %mul3A : i32
    %add3A = arith.addi %mul3A_0, %arg0 : i32
    %mul3A_1 = arith.constant 32 : i32
    %mul3A_2 = arith.muli %add3A, %mul3A_1 : i32
    %mul3A_3 = arith.constant 2 : i32
    %mul3A_4 = arith.muli %mul3A_2, %mul3A_3 : i32
    "tpu.region"() ({
      %run_scoped3A = tpu.sem_alloc : memref<!tpu.dma_semaphore, #tpu.memory_space<semaphore_mem>>
      %dma_start3A_93 = arith.constant 0 : i32
      %dma_start3A_94 = arith.constant 0 : i32
      %dma_start3A_95 = tpu.memref_slice %arg5[%dma_start3A_93, %dma_start3A_94] : memref<64x100xi32, #tpu.memory_space<vmem>> -> memref<8x100xi32, #tpu.memory_space<vmem>>
      %dma_start3A_96 = arith.constant 0 : i32
      %dma_start3A_97 = tpu.memref_slice %arg3[%mul3A_4, %dma_start3A_96] : memref<2048x100xi32, #tpu.memory_space<hbm>> -> memref<8x100xi32, #tpu.memory_space<hbm>>
      %dma_start3A_98 = arith.constant 0 : i32
      %dma_start3A_99 = arith.constant 0 : i32
      %dma_start3A_100 = tpu.memref_slice %arg5[%dma_start3A_98, %dma_start3A_99] : memref<64x100xi32, #tpu.memory_space<vmem>> -> memref<8x100xi32, #tpu.memory_space<vmem>>
      %dma_start3A_101 = arith.constant 0 : i32
      %dma_start3A_102 = tpu.memref_slice %arg3[%mul3A_4, %dma_start3A_101] : memref<2048x100xi32, #tpu.memory_space<hbm>> -> memref<8x100xi32, #tpu.memory_space<hbm>>
      tpu.enqueue_dma source(%dma_start3A_102 : memref<8x100xi32, #tpu.memory_space<hbm>>) target(%dma_start3A_100 : memref<8x100xi32, #tpu.memory_space<vmem>>) target_semaphore(%run_scoped3A : memref<!tpu.dma_semaphore, #tpu.memory_space<semaphore_mem>>)
      %dma_wait3A = arith.constant 0 : i32
      %dma_wait3A_103 = arith.constant 0 : i32
      %dma_wait3A_104 = tpu.memref_slice %arg5[%dma_wait3A, %dma_wait3A_103] : memref<64x100xi32, #tpu.memory_space<vmem>> -> memref<8x100xi32, #tpu.memory_space<vmem>>
      %dma_wait3A_105 = arith.constant 0 : i32
      %dma_wait3A_106 = tpu.memref_slice %arg3[%mul3A_4, %dma_wait3A_105] : memref<2048x100xi32, #tpu.memory_space<hbm>> -> memref<8x100xi32, #tpu.memory_space<hbm>>
      %dma_wait3A_107 = arith.constant 0 : i32
      %dma_wait3A_108 = arith.constant 0 : i32
      %dma_wait3A_109 = tpu.memref_slice %arg5[%dma_wait3A_107, %dma_wait3A_108] : memref<64x100xi32, #tpu.memory_space<vmem>> -> memref<8x100xi32, #tpu.memory_space<vmem>>
      %dma_wait3A_110 = arith.constant 0 : i32
      %dma_wait3A_111 = tpu.memref_slice %arg3[%mul3A_4, %dma_wait3A_110] : memref<2048x100xi32, #tpu.memory_space<hbm>> -> memref<8x100xi32, #tpu.memory_space<hbm>>
      tpu.wait_dma2 semaphore(%run_scoped3A : memref<!tpu.dma_semaphore, #tpu.memory_space<semaphore_mem>>) src(%dma_wait3A_111 : memref<8x100xi32, #tpu.memory_space<hbm>>) dst(%dma_wait3A_109 : memref<8x100xi32, #tpu.memory_space<vmem>>)
      tpu.yield
    }) : () -> ()
    %dma_start3A = arith.constant 0 : i32
    %dma_start3A_5 = arith.constant 0 : i32
    %dma_start3A_6 = arith.constant 0 : i32
    %dma_start3A_7 = tpu.memref_slice %arg6[%dma_start3A_5, %dma_start3A_6] : memref<200x128xf32, #tpu.memory_space<vmem>> -> memref<100x128xf32, #tpu.memory_space<vmem>>
    %dma_start3A_8 = arith.constant 0 : i32
    %dma_start3A_9 = tpu.memref_slice %arg5[%dma_start3A, %dma_start3A_8] : memref<64x100xi32, #tpu.memory_space<vmem>> -> memref<1x100xi32, #tpu.memory_space<vmem>>
    %dma_start3A_10 = tpu.memref_squeeze %dma_start3A_9 : memref<1x100xi32, #tpu.memory_space<vmem>> -> memref<100xi32, #tpu.memory_space<vmem>>
    %dma_start3A_11 = arith.constant 0 : i32
    %dma_start3A_12 = arith.constant 0 : i32
    %dma_start3A_13 = tpu.memref_slice %arg2[%dma_start3A_11, %dma_start3A_12] : memref<100000x128xf32, #tpu.memory_space<hbm>> -> memref<100000x128xf32, #tpu.memory_space<hbm>>
    tpu.enqueue_indirect_dma source(%dma_start3A_13 : memref<100000x128xf32, #tpu.memory_space<hbm>>) target(%dma_start3A_7 : memref<100x128xf32, #tpu.memory_space<vmem>>) offsets(%dma_start3A_10 : memref<100xi32, #tpu.memory_space<vmem>>) semaphore(%arg11 : memref<!tpu.dma_semaphore, #tpu.memory_space<semaphore_mem>>)
    %dma_start3A_14 = arith.constant 1 : i32
    %dma_start3A_15 = arith.constant 100 : i32
    %dma_start3A_16 = arith.constant 0 : i32
    %dma_start3A_17 = tpu.memref_slice %arg6[%dma_start3A_15, %dma_start3A_16] : memref<200x128xf32, #tpu.memory_space<vmem>> -> memref<100x128xf32, #tpu.memory_space<vmem>>
    %dma_start3A_18 = arith.constant 0 : i32
    %dma_start3A_19 = tpu.memref_slice %arg5[%dma_start3A_14, %dma_start3A_18] : memref<64x100xi32, #tpu.memory_space<vmem>> -> memref<1x100xi32, #tpu.memory_space<vmem>>
    %dma_start3A_20 = tpu.memref_squeeze %dma_start3A_19 : memref<1x100xi32, #tpu.memory_space<vmem>> -> memref<100xi32, #tpu.memory_space<vmem>>
    %dma_start3A_21 = arith.constant 0 : i32
    %dma_start3A_22 = arith.constant 0 : i32
    %dma_start3A_23 = tpu.memref_slice %arg2[%dma_start3A_21, %dma_start3A_22] : memref<100000x128xf32, #tpu.memory_space<hbm>> -> memref<100000x128xf32, #tpu.memory_space<hbm>>
    tpu.enqueue_indirect_dma source(%dma_start3A_23 : memref<100000x128xf32, #tpu.memory_space<hbm>>) target(%dma_start3A_17 : memref<100x128xf32, #tpu.memory_space<vmem>>) offsets(%dma_start3A_20 : memref<100xi32, #tpu.memory_space<vmem>>) semaphore(%arg11 : memref<!tpu.dma_semaphore, #tpu.memory_space<semaphore_mem>>)
    %dma_start3A_24 = arith.constant 2 : i32
    %dma_start3A_25 = arith.constant 0 : i32
    %dma_start3A_26 = arith.constant 0 : i32
    %dma_start3A_27 = tpu.memref_slice %arg7[%dma_start3A_25, %dma_start3A_26] : memref<200x128xf32, #tpu.memory_space<vmem>> -> memref<100x128xf32, #tpu.memory_space<vmem>>
    %dma_start3A_28 = arith.constant 0 : i32
    %dma_start3A_29 = tpu.memref_slice %arg5[%dma_start3A_24, %dma_start3A_28] : memref<64x100xi32, #tpu.memory_space<vmem>> -> memref<1x100xi32, #tpu.memory_space<vmem>>
    %dma_start3A_30 = tpu.memref_squeeze %dma_start3A_29 : memref<1x100xi32, #tpu.memory_space<vmem>> -> memref<100xi32, #tpu.memory_space<vmem>>
    %dma_start3A_31 = arith.constant 0 : i32
    %dma_start3A_32 = arith.constant 0 : i32
    %dma_start3A_33 = tpu.memref_slice %arg2[%dma_start3A_31, %dma_start3A_32] : memref<100000x128xf32, #tpu.memory_space<hbm>> -> memref<100000x128xf32, #tpu.memory_space<hbm>>
    tpu.enqueue_indirect_dma source(%dma_start3A_33 : memref<100000x128xf32, #tpu.memory_space<hbm>>) target(%dma_start3A_27 : memref<100x128xf32, #tpu.memory_space<vmem>>) offsets(%dma_start3A_30 : memref<100xi32, #tpu.memory_space<vmem>>) semaphore(%arg12 : memref<!tpu.dma_semaphore, #tpu.memory_space<semaphore_mem>>)
    %dma_start3A_34 = arith.constant 3 : i32
    %dma_start3A_35 = arith.constant 100 : i32
    %dma_start3A_36 = arith.constant 0 : i32
    %dma_start3A_37 = tpu.memref_slice %arg7[%dma_start3A_35, %dma_start3A_36] : memref<200x128xf32, #tpu.memory_space<vmem>> -> memref<100x128xf32, #tpu.memory_space<vmem>>
    %dma_start3A_38 = arith.constant 0 : i32
    %dma_start3A_39 = tpu.memref_slice %arg5[%dma_start3A_34, %dma_start3A_38] : memref<64x100xi32, #tpu.memory_space<vmem>> -> memref<1x100xi32, #tpu.memory_space<vmem>>
    %dma_start3A_40 = tpu.memref_squeeze %dma_start3A_39 : memref<1x100xi32, #tpu.memory_space<vmem>> -> memref<100xi32, #tpu.memory_space<vmem>>
    %dma_start3A_41 = arith.constant 0 : i32
    %dma_start3A_42 = arith.constant 0 : i32
    %dma_start3A_43 = tpu.memref_slice %arg2[%dma_start3A_41, %dma_start3A_42] : memref<100000x128xf32, #tpu.memory_space<hbm>> -> memref<100000x128xf32, #tpu.memory_space<hbm>>
    tpu.enqueue_indirect_dma source(%dma_start3A_43 : memref<100000x128xf32, #tpu.memory_space<hbm>>) target(%dma_start3A_37 : memref<100x128xf32, #tpu.memory_space<vmem>>) offsets(%dma_start3A_40 : memref<100xi32, #tpu.memory_space<vmem>>) semaphore(%arg12 : memref<!tpu.dma_semaphore, #tpu.memory_space<semaphore_mem>>)
    %mul3A_44 = arith.constant 2 : i32
    %mul3A_45 = arith.muli %mul3A_2, %mul3A_44 : i32
    %add3A_46 = arith.constant 8 : i32
    %add3A_47 = arith.addi %mul3A_45, %add3A_46 : i32
    "tpu.region"() ({
      %run_scoped3A = tpu.sem_alloc : memref<!tpu.dma_semaphore, #tpu.memory_space<semaphore_mem>>
      %dma_start3A_93 = arith.constant 8 : i32
      %dma_start3A_94 = arith.constant 0 : i32
      %dma_start3A_95 = tpu.memref_slice %arg5[%dma_start3A_93, %dma_start3A_94] : memref<64x100xi32, #tpu.memory_space<vmem>> -> memref<56x100xi32, #tpu.memory_space<vmem>>
      %dma_start3A_96 = arith.constant 0 : i32
      %dma_start3A_97 = tpu.memref_slice %arg3[%add3A_47, %dma_start3A_96] : memref<2048x100xi32, #tpu.memory_space<hbm>> -> memref<56x100xi32, #tpu.memory_space<hbm>>
      %dma_start3A_98 = arith.constant 8 : i32
      %dma_start3A_99 = arith.constant 0 : i32
      %dma_start3A_100 = tpu.memref_slice %arg5[%dma_start3A_98, %dma_start3A_99] : memref<64x100xi32, #tpu.memory_space<vmem>> -> memref<56x100xi32, #tpu.memory_space<vmem>>
      %dma_start3A_101 = arith.constant 0 : i32
      %dma_start3A_102 = tpu.memref_slice %arg3[%add3A_47, %dma_start3A_101] : memref<2048x100xi32, #tpu.memory_space<hbm>> -> memref<56x100xi32, #tpu.memory_space<hbm>>
      tpu.enqueue_dma source(%dma_start3A_102 : memref<56x100xi32, #tpu.memory_space<hbm>>) target(%dma_start3A_100 : memref<56x100xi32, #tpu.memory_space<vmem>>) target_semaphore(%run_scoped3A : memref<!tpu.dma_semaphore, #tpu.memory_space<semaphore_mem>>)
      %dma_wait3A = arith.constant 8 : i32
      %dma_wait3A_103 = arith.constant 0 : i32
      %dma_wait3A_104 = tpu.memref_slice %arg5[%dma_wait3A, %dma_wait3A_103] : memref<64x100xi32, #tpu.memory_space<vmem>> -> memref<56x100xi32, #tpu.memory_space<vmem>>
      %dma_wait3A_105 = arith.constant 0 : i32
      %dma_wait3A_106 = tpu.memref_slice %arg3[%add3A_47, %dma_wait3A_105] : memref<2048x100xi32, #tpu.memory_space<hbm>> -> memref<56x100xi32, #tpu.memory_space<hbm>>
      %dma_wait3A_107 = arith.constant 8 : i32
      %dma_wait3A_108 = arith.constant 0 : i32
      %dma_wait3A_109 = tpu.memref_slice %arg5[%dma_wait3A_107, %dma_wait3A_108] : memref<64x100xi32, #tpu.memory_space<vmem>> -> memref<56x100xi32, #tpu.memory_space<vmem>>
      %dma_wait3A_110 = arith.constant 0 : i32
      %dma_wait3A_111 = tpu.memref_slice %arg3[%add3A_47, %dma_wait3A_110] : memref<2048x100xi32, #tpu.memory_space<hbm>> -> memref<56x100xi32, #tpu.memory_space<hbm>>
      tpu.wait_dma2 semaphore(%run_scoped3A : memref<!tpu.dma_semaphore, #tpu.memory_space<semaphore_mem>>) src(%dma_wait3A_111 : memref<56x100xi32, #tpu.memory_space<hbm>>) dst(%dma_wait3A_109 : memref<56x100xi32, #tpu.memory_space<vmem>>)
      tpu.yield
    }) : () -> ()
    %dma_start3A_48 = arith.constant 4 : i32
    %dma_start3A_49 = arith.constant 0 : i32
    %dma_start3A_50 = arith.constant 0 : i32
    %dma_start3A_51 = tpu.memref_slice %arg8[%dma_start3A_49, %dma_start3A_50] : memref<200x128xf32, #tpu.memory_space<vmem>> -> memref<100x128xf32, #tpu.memory_space<vmem>>
    %dma_start3A_52 = arith.constant 0 : i32
    %dma_start3A_53 = tpu.memref_slice %arg5[%dma_start3A_48, %dma_start3A_52] : memref<64x100xi32, #tpu.memory_space<vmem>> -> memref<1x100xi32, #tpu.memory_space<vmem>>
    %dma_start3A_54 = tpu.memref_squeeze %dma_start3A_53 : memref<1x100xi32, #tpu.memory_space<vmem>> -> memref<100xi32, #tpu.memory_space<vmem>>
    %dma_start3A_55 = arith.constant 0 : i32
    %dma_start3A_56 = arith.constant 0 : i32
    %dma_start3A_57 = tpu.memref_slice %arg2[%dma_start3A_55, %dma_start3A_56] : memref<100000x128xf32, #tpu.memory_space<hbm>> -> memref<100000x128xf32, #tpu.memory_space<hbm>>
    tpu.enqueue_indirect_dma source(%dma_start3A_57 : memref<100000x128xf32, #tpu.memory_space<hbm>>) target(%dma_start3A_51 : memref<100x128xf32, #tpu.memory_space<vmem>>) offsets(%dma_start3A_54 : memref<100xi32, #tpu.memory_space<vmem>>) semaphore(%arg13 : memref<!tpu.dma_semaphore, #tpu.memory_space<semaphore_mem>>)
    %dma_start3A_58 = arith.constant 5 : i32
    %dma_start3A_59 = arith.constant 100 : i32
    %dma_start3A_60 = arith.constant 0 : i32
    %dma_start3A_61 = tpu.memref_slice %arg8[%dma_start3A_59, %dma_start3A_60] : memref<200x128xf32, #tpu.memory_space<vmem>> -> memref<100x128xf32, #tpu.memory_space<vmem>>
    %dma_start3A_62 = arith.constant 0 : i32
    %dma_start3A_63 = tpu.memref_slice %arg5[%dma_start3A_58, %dma_start3A_62] : memref<64x100xi32, #tpu.memory_space<vmem>> -> memref<1x100xi32, #tpu.memory_space<vmem>>
    %dma_start3A_64 = tpu.memref_squeeze %dma_start3A_63 : memref<1x100xi32, #tpu.memory_space<vmem>> -> memref<100xi32, #tpu.memory_space<vmem>>
    %dma_start3A_65 = arith.constant 0 : i32
    %dma_start3A_66 = arith.constant 0 : i32
    %dma_start3A_67 = tpu.memref_slice %arg2[%dma_start3A_65, %dma_start3A_66] : memref<100000x128xf32, #tpu.memory_space<hbm>> -> memref<100000x128xf32, #tpu.memory_space<hbm>>
    tpu.enqueue_indirect_dma source(%dma_start3A_67 : memref<100000x128xf32, #tpu.memory_space<hbm>>) target(%dma_start3A_61 : memref<100x128xf32, #tpu.memory_space<vmem>>) offsets(%dma_start3A_64 : memref<100xi32, #tpu.memory_space<vmem>>) semaphore(%arg13 : memref<!tpu.dma_semaphore, #tpu.memory_space<semaphore_mem>>)
    %dma_start3A_68 = arith.constant 6 : i32
    %dma_start3A_69 = arith.constant 0 : i32
    %dma_start3A_70 = arith.constant 0 : i32
    %dma_start3A_71 = tpu.memref_slice %arg9[%dma_start3A_69, %dma_start3A_70] : memref<200x128xf32, #tpu.memory_space<vmem>> -> memref<100x128xf32, #tpu.memory_space<vmem>>
    %dma_start3A_72 = arith.constant 0 : i32
    %dma_start3A_73 = tpu.memref_slice %arg5[%dma_start3A_68, %dma_start3A_72] : memref<64x100xi32, #tpu.memory_space<vmem>> -> memref<1x100xi32, #tpu.memory_space<vmem>>
    %dma_start3A_74 = tpu.memref_squeeze %dma_start3A_73 : memref<1x100xi32, #tpu.memory_space<vmem>> -> memref<100xi32, #tpu.memory_space<vmem>>
    %dma_start3A_75 = arith.constant 0 : i32
    %dma_start3A_76 = arith.constant 0 : i32
    %dma_start3A_77 = tpu.memref_slice %arg2[%dma_start3A_75, %dma_start3A_76] : memref<100000x128xf32, #tpu.memory_space<hbm>> -> memref<100000x128xf32, #tpu.memory_space<hbm>>
    tpu.enqueue_indirect_dma source(%dma_start3A_77 : memref<100000x128xf32, #tpu.memory_space<hbm>>) target(%dma_start3A_71 : memref<100x128xf32, #tpu.memory_space<vmem>>) offsets(%dma_start3A_74 : memref<100xi32, #tpu.memory_space<vmem>>) semaphore(%arg14 : memref<!tpu.dma_semaphore, #tpu.memory_space<semaphore_mem>>)
    %dma_start3A_78 = arith.constant 7 : i32
    %dma_start3A_79 = arith.constant 100 : i32
    %dma_start3A_80 = arith.constant 0 : i32
    %dma_start3A_81 = tpu.memref_slice %arg9[%dma_start3A_79, %dma_start3A_80] : memref<200x128xf32, #tpu.memory_space<vmem>> -> memref<100x128xf32, #tpu.memory_space<vmem>>
    %dma_start3A_82 = arith.constant 0 : i32
    %dma_start3A_83 = tpu.memref_slice %arg5[%dma_start3A_78, %dma_start3A_82] : memref<64x100xi32, #tpu.memory_space<vmem>> -> memref<1x100xi32, #tpu.memory_space<vmem>>
    %dma_start3A_84 = tpu.memref_squeeze %dma_start3A_83 : memref<1x100xi32, #tpu.memory_space<vmem>> -> memref<100xi32, #tpu.memory_space<vmem>>
    %dma_start3A_85 = arith.constant 0 : i32
    %dma_start3A_86 = arith.constant 0 : i32
    %dma_start3A_87 = tpu.memref_slice %arg2[%dma_start3A_85, %dma_start3A_86] : memref<100000x128xf32, #tpu.memory_space<hbm>> -> memref<100000x128xf32, #tpu.memory_space<hbm>>
    tpu.enqueue_indirect_dma source(%dma_start3A_87 : memref<100000x128xf32, #tpu.memory_space<hbm>>) target(%dma_start3A_81 : memref<100x128xf32, #tpu.memory_space<vmem>>) offsets(%dma_start3A_84 : memref<100xi32, #tpu.memory_space<vmem>>) semaphore(%arg14 : memref<!tpu.dma_semaphore, #tpu.memory_space<semaphore_mem>>)
    %scan3A = arith.constant 0 : i32
    %scan3A_88 = arith.constant 0 : i32
    %scan3A_89 = arith.constant 8 : i32
    %scan3A_90 = arith.addi %scan3A_88, %scan3A_89 : i32
    %scan3A_91 = arith.constant 1 : i32
    scf.for %scan3A_93 = %scan3A_88 to %scan3A_90 step %scan3A_91  : i32 {
      %mul3A_94 = arith.constant 4 : i32
      %mul3A_95 = arith.muli %mul3A_94, %scan3A_93 : i32
      %dma_wait3A = arith.constant 0 : i32
      %dma_wait3A_96 = arith.constant 0 : i32
      %dma_wait3A_97 = tpu.memref_slice %arg2[%dma_wait3A, %dma_wait3A_96] : memref<100000x128xf32, #tpu.memory_space<hbm>> -> memref<200x128xf32, #tpu.memory_space<hbm>>
      %dma_wait3A_98 = arith.constant 0 : i32
      %dma_wait3A_99 = arith.constant 0 : i32
      %dma_wait3A_100 = tpu.memref_slice %arg2[%dma_wait3A_98, %dma_wait3A_99] : memref<100000x128xf32, #tpu.memory_space<hbm>> -> memref<200x128xf32, #tpu.memory_space<hbm>>
      tpu.wait_dma2 semaphore(%arg11 : memref<!tpu.dma_semaphore, #tpu.memory_space<semaphore_mem>>) src(%dma_wait3A_100 : memref<200x128xf32, #tpu.memory_space<hbm>>) dst(%arg6 : memref<200x128xf32, #tpu.memory_space<vmem>>)
      %lt3A = arith.constant 7 : i32
      %lt3A_101 = arith.cmpi slt, %scan3A_93, %lt3A : i32
      %convert_element_type3A = arith.extui %lt3A_101 : i1 to i32
      %cond3A = arith.constant 0 : i32
      %cond3A_102 = arith.cmpi ne, %convert_element_type3A, %cond3A : i32
      scf.if %cond3A_102 {
        %add3A_390 = arith.constant 0 : i32
        %add3A_391 = arith.addi %mul3A_95, %add3A_390 : i32
        %add3A_392 = arith.constant 4 : i32
        %add3A_393 = arith.addi %add3A_391, %add3A_392 : i32
        %mul3A_394 = arith.constant 2 : i32
        %mul3A_395 = arith.muli %mul3A_394, %add3A_393 : i32
        %dma_start3A_396 = arith.constant 0 : i32
        %dma_start3A_397 = arith.constant 0 : i32
        %dma_start3A_398 = tpu.memref_slice %arg6[%dma_start3A_396, %dma_start3A_397] : memref<200x128xf32, #tpu.memory_space<vmem>> -> memref<100x128xf32, #tpu.memory_space<vmem>>
        %dma_start3A_399 = arith.constant 0 : i32
        %dma_start3A_400 = tpu.memref_slice %arg5[%mul3A_395, %dma_start3A_399] : memref<64x100xi32, #tpu.memory_space<vmem>> -> memref<1x100xi32, #tpu.memory_space<vmem>>
        %dma_start3A_401 = tpu.memref_squeeze %dma_start3A_400 : memref<1x100xi32, #tpu.memory_space<vmem>> -> memref<100xi32, #tpu.memory_space<vmem>>
        %dma_start3A_402 = arith.constant 0 : i32
        %dma_start3A_403 = arith.constant 0 : i32
        %dma_start3A_404 = tpu.memref_slice %arg2[%dma_start3A_402, %dma_start3A_403] : memref<100000x128xf32, #tpu.memory_space<hbm>> -> memref<100000x128xf32, #tpu.memory_space<hbm>>
        tpu.enqueue_indirect_dma source(%dma_start3A_404 : memref<100000x128xf32, #tpu.memory_space<hbm>>) target(%dma_start3A_398 : memref<100x128xf32, #tpu.memory_space<vmem>>) offsets(%dma_start3A_401 : memref<100xi32, #tpu.memory_space<vmem>>) semaphore(%arg11 : memref<!tpu.dma_semaphore, #tpu.memory_space<semaphore_mem>>)
        %add3A_405 = arith.constant 1 : i32
        %add3A_406 = arith.addi %mul3A_395, %add3A_405 : i32
        %dma_start3A_407 = arith.constant 100 : i32
        %dma_start3A_408 = arith.constant 0 : i32
        %dma_start3A_409 = tpu.memref_slice %arg6[%dma_start3A_407, %dma_start3A_408] : memref<200x128xf32, #tpu.memory_space<vmem>> -> memref<100x128xf32, #tpu.memory_space<vmem>>
        %dma_start3A_410 = arith.constant 0 : i32
        %dma_start3A_411 = tpu.memref_slice %arg5[%add3A_406, %dma_start3A_410] : memref<64x100xi32, #tpu.memory_space<vmem>> -> memref<1x100xi32, #tpu.memory_space<vmem>>
        %dma_start3A_412 = tpu.memref_squeeze %dma_start3A_411 : memref<1x100xi32, #tpu.memory_space<vmem>> -> memref<100xi32, #tpu.memory_space<vmem>>
        %dma_start3A_413 = arith.constant 0 : i32
        %dma_start3A_414 = arith.constant 0 : i32
        %dma_start3A_415 = tpu.memref_slice %arg2[%dma_start3A_413, %dma_start3A_414] : memref<100000x128xf32, #tpu.memory_space<hbm>> -> memref<100000x128xf32, #tpu.memory_space<hbm>>
        tpu.enqueue_indirect_dma source(%dma_start3A_415 : memref<100000x128xf32, #tpu.memory_space<hbm>>) target(%dma_start3A_409 : memref<100x128xf32, #tpu.memory_space<vmem>>) offsets(%dma_start3A_412 : memref<100xi32, #tpu.memory_space<vmem>>) semaphore(%arg11 : memref<!tpu.dma_semaphore, #tpu.memory_space<semaphore_mem>>)
      } else {
      }
      %add3A_103 = arith.constant 0 : i32
      %add3A_104 = arith.addi %mul3A_95, %add3A_103 : i32
      %broadcast_in_dim3A = arith.constant 0xFF800000 : f32
      %broadcast_in_dim3A_105 = vector.broadcast %broadcast_in_dim3A : f32 to vector<16xf32>
      %broadcast_in_dim3A_106 = arith.constant 0xFF800000 : f32
      %broadcast_in_dim3A_107 = vector.broadcast %broadcast_in_dim3A_106 : f32 to vector<16xf32>
      %broadcast_in_dim3A_108 = arith.constant 0xFF800000 : f32
      %broadcast_in_dim3A_109 = vector.broadcast %broadcast_in_dim3A_108 : f32 to vector<16xf32>
      %broadcast_in_dim3A_110 = arith.constant 0xFF800000 : f32
      %broadcast_in_dim3A_111 = vector.broadcast %broadcast_in_dim3A_110 : f32 to vector<16xf32>
      %broadcast_in_dim3A_112 = arith.constant 0xFF800000 : f32
      %broadcast_in_dim3A_113 = vector.broadcast %broadcast_in_dim3A_112 : f32 to vector<16xf32>
      %broadcast_in_dim3A_114 = arith.constant 0xFF800000 : f32
      %broadcast_in_dim3A_115 = vector.broadcast %broadcast_in_dim3A_114 : f32 to vector<16xf32>
      %broadcast_in_dim3A_116 = arith.constant 0xFF800000 : f32
      %broadcast_in_dim3A_117 = vector.broadcast %broadcast_in_dim3A_116 : f32 to vector<16xf32>
      %broadcast_in_dim3A_118 = arith.constant 0xFF800000 : f32
      %broadcast_in_dim3A_119 = vector.broadcast %broadcast_in_dim3A_118 : f32 to vector<16xf32>
      %scan3A_120 = arith.constant 0 : i32
      %scan3A_121 = arith.constant 200 : i32
      %scan3A_122 = arith.addi %scan3A_120, %scan3A_121 : i32
      %scan3A_123 = arith.constant 2 : i32
      %scan3A_124:8 = scf.for %scan3A_390 = %scan3A_120 to %scan3A_122 step %scan3A_123 iter_args(%scan3A_391 = %broadcast_in_dim3A_105, %scan3A_392 = %broadcast_in_dim3A_107, %scan3A_393 = %broadcast_in_dim3A_109, %scan3A_394 = %broadcast_in_dim3A_111, %scan3A_395 = %broadcast_in_dim3A_113, %scan3A_396 = %broadcast_in_dim3A_115, %scan3A_397 = %broadcast_in_dim3A_117, %scan3A_398 = %broadcast_in_dim3A_119) -> (vector<16xf32>, vector<16xf32>, vector<16xf32>, vector<16xf32>, vector<16xf32>, vector<16xf32>, vector<16xf32>, vector<16xf32>)  : i32 {
        %get3A = arith.index_cast %scan3A_390 : i32 to index
        %get3A_399 = arith.constant 0 : index
        %get3A_400 = tpu.vector_load %arg6[%get3A, %get3A_399] {strides = array<i32>} : memref<200x128xf32, #tpu.memory_space<vmem>>, vector<1x16xf32>,
        %get3A_401 = vector.shape_cast %get3A_400 : vector<1x16xf32> to vector<16xf32>
        %max3A = arith.maximumf %scan3A_391, %get3A_401 : vector<16xf32>
        %get3A_402 = arith.index_cast %scan3A_390 : i32 to index
        %get3A_403 = arith.constant 16 : index
        %get3A_404 = tpu.vector_load %arg6[%get3A_402, %get3A_403] {strides = array<i32>} : memref<200x128xf32, #tpu.memory_space<vmem>>, vector<1x16xf32>,
        %get3A_405 = vector.shape_cast %get3A_404 : vector<1x16xf32> to vector<16xf32>
        %max3A_406 = arith.maximumf %scan3A_392, %get3A_405 : vector<16xf32>
        %get3A_407 = arith.index_cast %scan3A_390 : i32 to index
        %get3A_408 = arith.constant 32 : index
        %get3A_409 = tpu.vector_load %arg6[%get3A_407, %get3A_408] {strides = array<i32>} : memref<200x128xf32, #tpu.memory_space<vmem>>, vector<1x16xf32>,
        %get3A_410 = vector.shape_cast %get3A_409 : vector<1x16xf32> to vector<16xf32>
        %max3A_411 = arith.maximumf %scan3A_393, %get3A_410 : vector<16xf32>
        %get3A_412 = arith.index_cast %scan3A_390 : i32 to index
        %get3A_413 = arith.constant 48 : index
        %get3A_414 = tpu.vector_load %arg6[%get3A_412, %get3A_413] {strides = array<i32>} : memref<200x128xf32, #tpu.memory_space<vmem>>, vector<1x16xf32>,
        %get3A_415 = vector.shape_cast %get3A_414 : vector<1x16xf32> to vector<16xf32>
        %max3A_416 = arith.maximumf %scan3A_394, %get3A_415 : vector<16xf32>
        %get3A_417 = arith.index_cast %scan3A_390 : i32 to index
        %get3A_418 = arith.constant 64 : index
        %get3A_419 = tpu.vector_load %arg6[%get3A_417, %get3A_418] {strides = array<i32>} : memref<200x128xf32, #tpu.memory_space<vmem>>, vector<1x16xf32>,
        %get3A_420 = vector.shape_cast %get3A_419 : vector<1x16xf32> to vector<16xf32>
        %max3A_421 = arith.maximumf %scan3A_395, %get3A_420 : vector<16xf32>
        %get3A_422 = arith.index_cast %scan3A_390 : i32 to index
        %get3A_423 = arith.constant 80 : index
        %get3A_424 = tpu.vector_load %arg6[%get3A_422, %get3A_423] {strides = array<i32>} : memref<200x128xf32, #tpu.memory_space<vmem>>, vector<1x16xf32>,
        %get3A_425 = vector.shape_cast %get3A_424 : vector<1x16xf32> to vector<16xf32>
        %max3A_426 = arith.maximumf %scan3A_396, %get3A_425 : vector<16xf32>
        %get3A_427 = arith.index_cast %scan3A_390 : i32 to index
        %get3A_428 = arith.constant 96 : index
        %get3A_429 = tpu.vector_load %arg6[%get3A_427, %get3A_428] {strides = array<i32>} : memref<200x128xf32, #tpu.memory_space<vmem>>, vector<1x16xf32>,
        %get3A_430 = vector.shape_cast %get3A_429 : vector<1x16xf32> to vector<16xf32>
        %max3A_431 = arith.maximumf %scan3A_397, %get3A_430 : vector<16xf32>
        %get3A_432 = arith.index_cast %scan3A_390 : i32 to index
        %get3A_433 = arith.constant 112 : index
        %get3A_434 = tpu.vector_load %arg6[%get3A_432, %get3A_433] {strides = array<i32>} : memref<200x128xf32, #tpu.memory_space<vmem>>, vector<1x16xf32>,
        %get3A_435 = vector.shape_cast %get3A_434 : vector<1x16xf32> to vector<16xf32>
        %max3A_436 = arith.maximumf %scan3A_398, %get3A_435 : vector<16xf32>
        %scan3A_437 = arith.constant 1 : i32
        %scan3A_438 = arith.addi %scan3A_390, %scan3A_437 : i32
        %get3A_439 = arith.index_cast %scan3A_438 : i32 to index
        %get3A_440 = arith.constant 0 : index
        %get3A_441 = tpu.vector_load %arg6[%get3A_439, %get3A_440] {strides = array<i32>} : memref<200x128xf32, #tpu.memory_space<vmem>>, vector<1x16xf32>,
        %get3A_442 = vector.shape_cast %get3A_441 : vector<1x16xf32> to vector<16xf32>
        %max3A_443 = arith.maximumf %max3A, %get3A_442 : vector<16xf32>
        %get3A_444 = arith.index_cast %scan3A_438 : i32 to index
        %get3A_445 = arith.constant 16 : index
        %get3A_446 = tpu.vector_load %arg6[%get3A_444, %get3A_445] {strides = array<i32>} : memref<200x128xf32, #tpu.memory_space<vmem>>, vector<1x16xf32>,
        %get3A_447 = vector.shape_cast %get3A_446 : vector<1x16xf32> to vector<16xf32>
        %max3A_448 = arith.maximumf %max3A_406, %get3A_447 : vector<16xf32>
        %get3A_449 = arith.index_cast %scan3A_438 : i32 to index
        %get3A_450 = arith.constant 32 : index
        %get3A_451 = tpu.vector_load %arg6[%get3A_449, %get3A_450] {strides = array<i32>} : memref<200x128xf32, #tpu.memory_space<vmem>>, vector<1x16xf32>,
        %get3A_452 = vector.shape_cast %get3A_451 : vector<1x16xf32> to vector<16xf32>
        %max3A_453 = arith.maximumf %max3A_411, %get3A_452 : vector<16xf32>
        %get3A_454 = arith.index_cast %scan3A_438 : i32 to index
        %get3A_455 = arith.constant 48 : index
        %get3A_456 = tpu.vector_load %arg6[%get3A_454, %get3A_455] {strides = array<i32>} : memref<200x128xf32, #tpu.memory_space<vmem>>, vector<1x16xf32>,
        %get3A_457 = vector.shape_cast %get3A_456 : vector<1x16xf32> to vector<16xf32>
        %max3A_458 = arith.maximumf %max3A_416, %get3A_457 : vector<16xf32>
        %get3A_459 = arith.index_cast %scan3A_438 : i32 to index
        %get3A_460 = arith.constant 64 : index
        %get3A_461 = tpu.vector_load %arg6[%get3A_459, %get3A_460] {strides = array<i32>} : memref<200x128xf32, #tpu.memory_space<vmem>>, vector<1x16xf32>,
        %get3A_462 = vector.shape_cast %get3A_461 : vector<1x16xf32> to vector<16xf32>
        %max3A_463 = arith.maximumf %max3A_421, %get3A_462 : vector<16xf32>
        %get3A_464 = arith.index_cast %scan3A_438 : i32 to index
        %get3A_465 = arith.constant 80 : index
        %get3A_466 = tpu.vector_load %arg6[%get3A_464, %get3A_465] {strides = array<i32>} : memref<200x128xf32, #tpu.memory_space<vmem>>, vector<1x16xf32>,
        %get3A_467 = vector.shape_cast %get3A_466 : vector<1x16xf32> to vector<16xf32>
        %max3A_468 = arith.maximumf %max3A_426, %get3A_467 : vector<16xf32>
        %get3A_469 = arith.index_cast %scan3A_438 : i32 to index
        %get3A_470 = arith.constant 96 : index
        %get3A_471 = tpu.vector_load %arg6[%get3A_469, %get3A_470] {strides = array<i32>} : memref<200x128xf32, #tpu.memory_space<vmem>>, vector<1x16xf32>,
        %get3A_472 = vector.shape_cast %get3A_471 : vector<1x16xf32> to vector<16xf32>
        %max3A_473 = arith.maximumf %max3A_431, %get3A_472 : vector<16xf32>
        %get3A_474 = arith.index_cast %scan3A_438 : i32 to index
        %get3A_475 = arith.constant 112 : index
        %get3A_476 = tpu.vector_load %arg6[%get3A_474, %get3A_475] {strides = array<i32>} : memref<200x128xf32, #tpu.memory_space<vmem>>, vector<1x16xf32>,
        %get3A_477 = vector.shape_cast %get3A_476 : vector<1x16xf32> to vector<16xf32>
        %max3A_478 = arith.maximumf %max3A_436, %get3A_477 : vector<16xf32>
        scf.yield %max3A_443, %max3A_448, %max3A_453, %max3A_458, %max3A_463, %max3A_468, %max3A_473, %max3A_478 : vector<16xf32>, vector<16xf32>, vector<16xf32>, vector<16xf32>, vector<16xf32>, vector<16xf32>, vector<16xf32>, vector<16xf32>
      }
      %scan3A_125 = arith.constant 200 : i32
      %swap3A = arith.index_cast %add3A_104 : i32 to index
      %swap3A_126 = arith.constant 0 : index
      %swap3A_127 = tpu.vector_load %arg10[%swap3A, %swap3A_126] {strides = array<i32>} : memref<32x128xf32, #tpu.memory_space<vmem>>, vector<1x16xf32>,
      %swap3A_128 = vector.shape_cast %swap3A_127 : vector<1x16xf32> to vector<16xf32>
      %swap3A_129 = vector.shape_cast %scan3A_124#0 : vector<16xf32> to vector<1x16xf32>
      tpu.vector_store %arg10[%swap3A, %swap3A_126], %swap3A_129 {strides = array<i32>} : memref<32x128xf32, #tpu.memory_space<vmem>>, vector<1x16xf32>,
      %swap3A_130 = arith.index_cast %add3A_104 : i32 to index
      %swap3A_131 = arith.constant 16 : index
      %swap3A_132 = tpu.vector_load %arg10[%swap3A_130, %swap3A_131] {strides = array<i32>} : memref<32x128xf32, #tpu.memory_space<vmem>>, vector<1x16xf32>,
      %swap3A_133 = vector.shape_cast %swap3A_132 : vector<1x16xf32> to vector<16xf32>
      %swap3A_134 = vector.shape_cast %scan3A_124#1 : vector<16xf32> to vector<1x16xf32>
      tpu.vector_store %arg10[%swap3A_130, %swap3A_131], %swap3A_134 {strides = array<i32>} : memref<32x128xf32, #tpu.memory_space<vmem>>, vector<1x16xf32>,
      %swap3A_135 = arith.index_cast %add3A_104 : i32 to index
      %swap3A_136 = arith.constant 32 : index
      %swap3A_137 = tpu.vector_load %arg10[%swap3A_135, %swap3A_136] {strides = array<i32>} : memref<32x128xf32, #tpu.memory_space<vmem>>, vector<1x16xf32>,
      %swap3A_138 = vector.shape_cast %swap3A_137 : vector<1x16xf32> to vector<16xf32>
      %swap3A_139 = vector.shape_cast %scan3A_124#2 : vector<16xf32> to vector<1x16xf32>
      tpu.vector_store %arg10[%swap3A_135, %swap3A_136], %swap3A_139 {strides = array<i32>} : memref<32x128xf32, #tpu.memory_space<vmem>>, vector<1x16xf32>,
      %swap3A_140 = arith.index_cast %add3A_104 : i32 to index
      %swap3A_141 = arith.constant 48 : index
      %swap3A_142 = tpu.vector_load %arg10[%swap3A_140, %swap3A_141] {strides = array<i32>} : memref<32x128xf32, #tpu.memory_space<vmem>>, vector<1x16xf32>,
      %swap3A_143 = vector.shape_cast %swap3A_142 : vector<1x16xf32> to vector<16xf32>
      %swap3A_144 = vector.shape_cast %scan3A_124#3 : vector<16xf32> to vector<1x16xf32>
      tpu.vector_store %arg10[%swap3A_140, %swap3A_141], %swap3A_144 {strides = array<i32>} : memref<32x128xf32, #tpu.memory_space<vmem>>, vector<1x16xf32>,
      %swap3A_145 = arith.index_cast %add3A_104 : i32 to index
      %swap3A_146 = arith.constant 64 : index
      %swap3A_147 = tpu.vector_load %arg10[%swap3A_145, %swap3A_146] {strides = array<i32>} : memref<32x128xf32, #tpu.memory_space<vmem>>, vector<1x16xf32>,
      %swap3A_148 = vector.shape_cast %swap3A_147 : vector<1x16xf32> to vector<16xf32>
      %swap3A_149 = vector.shape_cast %scan3A_124#4 : vector<16xf32> to vector<1x16xf32>
      tpu.vector_store %arg10[%swap3A_145, %swap3A_146], %swap3A_149 {strides = array<i32>} : memref<32x128xf32, #tpu.memory_space<vmem>>, vector<1x16xf32>,
      %swap3A_150 = arith.index_cast %add3A_104 : i32 to index
      %swap3A_151 = arith.constant 80 : index
      %swap3A_152 = tpu.vector_load %arg10[%swap3A_150, %swap3A_151] {strides = array<i32>} : memref<32x128xf32, #tpu.memory_space<vmem>>, vector<1x16xf32>,
      %swap3A_153 = vector.shape_cast %swap3A_152 : vector<1x16xf32> to vector<16xf32>
      %swap3A_154 = vector.shape_cast %scan3A_124#5 : vector<16xf32> to vector<1x16xf32>
      tpu.vector_store %arg10[%swap3A_150, %swap3A_151], %swap3A_154 {strides = array<i32>} : memref<32x128xf32, #tpu.memory_space<vmem>>, vector<1x16xf32>,
      %swap3A_155 = arith.index_cast %add3A_104 : i32 to index
      %swap3A_156 = arith.constant 96 : index
      %swap3A_157 = tpu.vector_load %arg10[%swap3A_155, %swap3A_156] {strides = array<i32>} : memref<32x128xf32, #tpu.memory_space<vmem>>, vector<1x16xf32>,
      %swap3A_158 = vector.shape_cast %swap3A_157 : vector<1x16xf32> to vector<16xf32>
      %swap3A_159 = vector.shape_cast %scan3A_124#6 : vector<16xf32> to vector<1x16xf32>
      tpu.vector_store %arg10[%swap3A_155, %swap3A_156], %swap3A_159 {strides = array<i32>} : memref<32x128xf32, #tpu.memory_space<vmem>>, vector<1x16xf32>,
      %swap3A_160 = arith.index_cast %add3A_104 : i32 to index
      %swap3A_161 = arith.constant 112 : index
      %swap3A_162 = tpu.vector_load %arg10[%swap3A_160, %swap3A_161] {strides = array<i32>} : memref<32x128xf32, #tpu.memory_space<vmem>>, vector<1x16xf32>,
      %swap3A_163 = vector.shape_cast %swap3A_162 : vector<1x16xf32> to vector<16xf32>
      %swap3A_164 = vector.shape_cast %scan3A_124#7 : vector<16xf32> to vector<1x16xf32>
      tpu.vector_store %arg10[%swap3A_160, %swap3A_161], %swap3A_164 {strides = array<i32>} : memref<32x128xf32, #tpu.memory_space<vmem>>, vector<1x16xf32>,
      %dma_wait3A_165 = arith.constant 0 : i32
      %dma_wait3A_166 = arith.constant 0 : i32
      %dma_wait3A_167 = tpu.memref_slice %arg2[%dma_wait3A_165, %dma_wait3A_166] : memref<100000x128xf32, #tpu.memory_space<hbm>> -> memref<200x128xf32, #tpu.memory_space<hbm>>
      %dma_wait3A_168 = arith.constant 0 : i32
      %dma_wait3A_169 = arith.constant 0 : i32
      %dma_wait3A_170 = tpu.memref_slice %arg2[%dma_wait3A_168, %dma_wait3A_169] : memref<100000x128xf32, #tpu.memory_space<hbm>> -> memref<200x128xf32, #tpu.memory_space<hbm>>
      tpu.wait_dma2 semaphore(%arg12 : memref<!tpu.dma_semaphore, #tpu.memory_space<semaphore_mem>>) src(%dma_wait3A_170 : memref<200x128xf32, #tpu.memory_space<hbm>>) dst(%arg7 : memref<200x128xf32, #tpu.memory_space<vmem>>)
      %lt3A_171 = arith.constant 7 : i32
      %lt3A_172 = arith.cmpi slt, %scan3A_93, %lt3A_171 : i32
      %convert_element_type3A_173 = arith.extui %lt3A_172 : i1 to i32
      %cond3A_174 = arith.constant 0 : i32
      %cond3A_175 = arith.cmpi ne, %convert_element_type3A_173, %cond3A_174 : i32
      scf.if %cond3A_175 {
        %add3A_390 = arith.constant 1 : i32
        %add3A_391 = arith.addi %mul3A_95, %add3A_390 : i32
        %add3A_392 = arith.constant 4 : i32
        %add3A_393 = arith.addi %add3A_391, %add3A_392 : i32
        %mul3A_394 = arith.constant 2 : i32
        %mul3A_395 = arith.muli %mul3A_394, %add3A_393 : i32
        %dma_start3A_396 = arith.constant 0 : i32
        %dma_start3A_397 = arith.constant 0 : i32
        %dma_start3A_398 = tpu.memref_slice %arg7[%dma_start3A_396, %dma_start3A_397] : memref<200x128xf32, #tpu.memory_space<vmem>> -> memref<100x128xf32, #tpu.memory_space<vmem>>
        %dma_start3A_399 = arith.constant 0 : i32
        %dma_start3A_400 = tpu.memref_slice %arg5[%mul3A_395, %dma_start3A_399] : memref<64x100xi32, #tpu.memory_space<vmem>> -> memref<1x100xi32, #tpu.memory_space<vmem>>
        %dma_start3A_401 = tpu.memref_squeeze %dma_start3A_400 : memref<1x100xi32, #tpu.memory_space<vmem>> -> memref<100xi32, #tpu.memory_space<vmem>>
        %dma_start3A_402 = arith.constant 0 : i32
        %dma_start3A_403 = arith.constant 0 : i32
        %dma_start3A_404 = tpu.memref_slice %arg2[%dma_start3A_402, %dma_start3A_403] : memref<100000x128xf32, #tpu.memory_space<hbm>> -> memref<100000x128xf32, #tpu.memory_space<hbm>>
        tpu.enqueue_indirect_dma source(%dma_start3A_404 : memref<100000x128xf32, #tpu.memory_space<hbm>>) target(%dma_start3A_398 : memref<100x128xf32, #tpu.memory_space<vmem>>) offsets(%dma_start3A_401 : memref<100xi32, #tpu.memory_space<vmem>>) semaphore(%arg12 : memref<!tpu.dma_semaphore, #tpu.memory_space<semaphore_mem>>)
        %add3A_405 = arith.constant 1 : i32
        %add3A_406 = arith.addi %mul3A_395, %add3A_405 : i32
        %dma_start3A_407 = arith.constant 100 : i32
        %dma_start3A_408 = arith.constant 0 : i32
        %dma_start3A_409 = tpu.memref_slice %arg7[%dma_start3A_407, %dma_start3A_408] : memref<200x128xf32, #tpu.memory_space<vmem>> -> memref<100x128xf32, #tpu.memory_space<vmem>>
        %dma_start3A_410 = arith.constant 0 : i32
        %dma_start3A_411 = tpu.memref_slice %arg5[%add3A_406, %dma_start3A_410] : memref<64x100xi32, #tpu.memory_space<vmem>> -> memref<1x100xi32, #tpu.memory_space<vmem>>
        %dma_start3A_412 = tpu.memref_squeeze %dma_start3A_411 : memref<1x100xi32, #tpu.memory_space<vmem>> -> memref<100xi32, #tpu.memory_space<vmem>>
        %dma_start3A_413 = arith.constant 0 : i32
        %dma_start3A_414 = arith.constant 0 : i32
        %dma_start3A_415 = tpu.memref_slice %arg2[%dma_start3A_413, %dma_start3A_414] : memref<100000x128xf32, #tpu.memory_space<hbm>> -> memref<100000x128xf32, #tpu.memory_space<hbm>>
        tpu.enqueue_indirect_dma source(%dma_start3A_415 : memref<100000x128xf32, #tpu.memory_space<hbm>>) target(%dma_start3A_409 : memref<100x128xf32, #tpu.memory_space<vmem>>) offsets(%dma_start3A_412 : memref<100xi32, #tpu.memory_space<vmem>>) semaphore(%arg12 : memref<!tpu.dma_semaphore, #tpu.memory_space<semaphore_mem>>)
      } else {
      }
      %add3A_176 = arith.constant 1 : i32
      %add3A_177 = arith.addi %mul3A_95, %add3A_176 : i32
      %broadcast_in_dim3A_178 = arith.constant 0xFF800000 : f32
      %broadcast_in_dim3A_179 = vector.broadcast %broadcast_in_dim3A_178 : f32 to vector<16xf32>
      %broadcast_in_dim3A_180 = arith.constant 0xFF800000 : f32
      %broadcast_in_dim3A_181 = vector.broadcast %broadcast_in_dim3A_180 : f32 to vector<16xf32>
      %broadcast_in_dim3A_182 = arith.constant 0xFF800000 : f32
      %broadcast_in_dim3A_183 = vector.broadcast %broadcast_in_dim3A_182 : f32 to vector<16xf32>
      %broadcast_in_dim3A_184 = arith.constant 0xFF800000 : f32
      %broadcast_in_dim3A_185 = vector.broadcast %broadcast_in_dim3A_184 : f32 to vector<16xf32>
      %broadcast_in_dim3A_186 = arith.constant 0xFF800000 : f32
      %broadcast_in_dim3A_187 = vector.broadcast %broadcast_in_dim3A_186 : f32 to vector<16xf32>
      %broadcast_in_dim3A_188 = arith.constant 0xFF800000 : f32
      %broadcast_in_dim3A_189 = vector.broadcast %broadcast_in_dim3A_188 : f32 to vector<16xf32>
      %broadcast_in_dim3A_190 = arith.constant 0xFF800000 : f32
      %broadcast_in_dim3A_191 = vector.broadcast %broadcast_in_dim3A_190 : f32 to vector<16xf32>
      %broadcast_in_dim3A_192 = arith.constant 0xFF800000 : f32
      %broadcast_in_dim3A_193 = vector.broadcast %broadcast_in_dim3A_192 : f32 to vector<16xf32>
      %scan3A_194 = arith.constant 0 : i32
      %scan3A_195 = arith.constant 200 : i32
      %scan3A_196 = arith.addi %scan3A_194, %scan3A_195 : i32
      %scan3A_197 = arith.constant 2 : i32
      %scan3A_198:8 = scf.for %scan3A_390 = %scan3A_194 to %scan3A_196 step %scan3A_197 iter_args(%scan3A_391 = %broadcast_in_dim3A_179, %scan3A_392 = %broadcast_in_dim3A_181, %scan3A_393 = %broadcast_in_dim3A_183, %scan3A_394 = %broadcast_in_dim3A_185, %scan3A_395 = %broadcast_in_dim3A_187, %scan3A_396 = %broadcast_in_dim3A_189, %scan3A_397 = %broadcast_in_dim3A_191, %scan3A_398 = %broadcast_in_dim3A_193) -> (vector<16xf32>, vector<16xf32>, vector<16xf32>, vector<16xf32>, vector<16xf32>, vector<16xf32>, vector<16xf32>, vector<16xf32>)  : i32 {
        %get3A = arith.index_cast %scan3A_390 : i32 to index
        %get3A_399 = arith.constant 0 : index
        %get3A_400 = tpu.vector_load %arg7[%get3A, %get3A_399] {strides = array<i32>} : memref<200x128xf32, #tpu.memory_space<vmem>>, vector<1x16xf32>,
        %get3A_401 = vector.shape_cast %get3A_400 : vector<1x16xf32> to vector<16xf32>
        %max3A = arith.maximumf %scan3A_391, %get3A_401 : vector<16xf32>
        %get3A_402 = arith.index_cast %scan3A_390 : i32 to index
        %get3A_403 = arith.constant 16 : index
        %get3A_404 = tpu.vector_load %arg7[%get3A_402, %get3A_403] {strides = array<i32>} : memref<200x128xf32, #tpu.memory_space<vmem>>, vector<1x16xf32>,
        %get3A_405 = vector.shape_cast %get3A_404 : vector<1x16xf32> to vector<16xf32>
        %max3A_406 = arith.maximumf %scan3A_392, %get3A_405 : vector<16xf32>
        %get3A_407 = arith.index_cast %scan3A_390 : i32 to index
        %get3A_408 = arith.constant 32 : index
        %get3A_409 = tpu.vector_load %arg7[%get3A_407, %get3A_408] {strides = array<i32>} : memref<200x128xf32, #tpu.memory_space<vmem>>, vector<1x16xf32>,
        %get3A_410 = vector.shape_cast %get3A_409 : vector<1x16xf32> to vector<16xf32>
        %max3A_411 = arith.maximumf %scan3A_393, %get3A_410 : vector<16xf32>
        %get3A_412 = arith.index_cast %scan3A_390 : i32 to index
        %get3A_413 = arith.constant 48 : index
        %get3A_414 = tpu.vector_load %arg7[%get3A_412, %get3A_413] {strides = array<i32>} : memref<200x128xf32, #tpu.memory_space<vmem>>, vector<1x16xf32>,
        %get3A_415 = vector.shape_cast %get3A_414 : vector<1x16xf32> to vector<16xf32>
        %max3A_416 = arith.maximumf %scan3A_394, %get3A_415 : vector<16xf32>
        %get3A_417 = arith.index_cast %scan3A_390 : i32 to index
        %get3A_418 = arith.constant 64 : index
        %get3A_419 = tpu.vector_load %arg7[%get3A_417, %get3A_418] {strides = array<i32>} : memref<200x128xf32, #tpu.memory_space<vmem>>, vector<1x16xf32>,
        %get3A_420 = vector.shape_cast %get3A_419 : vector<1x16xf32> to vector<16xf32>
        %max3A_421 = arith.maximumf %scan3A_395, %get3A_420 : vector<16xf32>
        %get3A_422 = arith.index_cast %scan3A_390 : i32 to index
        %get3A_423 = arith.constant 80 : index
        %get3A_424 = tpu.vector_load %arg7[%get3A_422, %get3A_423] {strides = array<i32>} : memref<200x128xf32, #tpu.memory_space<vmem>>, vector<1x16xf32>,
        %get3A_425 = vector.shape_cast %get3A_424 : vector<1x16xf32> to vector<16xf32>
        %max3A_426 = arith.maximumf %scan3A_396, %get3A_425 : vector<16xf32>
        %get3A_427 = arith.index_cast %scan3A_390 : i32 to index
        %get3A_428 = arith.constant 96 : index
        %get3A_429 = tpu.vector_load %arg7[%get3A_427, %get3A_428] {strides = array<i32>} : memref<200x128xf32, #tpu.memory_space<vmem>>, vector<1x16xf32>,
        %get3A_430 = vector.shape_cast %get3A_429 : vector<1x16xf32> to vector<16xf32>
        %max3A_431 = arith.maximumf %scan3A_397, %get3A_430 : vector<16xf32>
        %get3A_432 = arith.index_cast %scan3A_390 : i32 to index
        %get3A_433 = arith.constant 112 : index
        %get3A_434 = tpu.vector_load %arg7[%get3A_432, %get3A_433] {strides = array<i32>} : memref<200x128xf32, #tpu.memory_space<vmem>>, vector<1x16xf32>,
        %get3A_435 = vector.shape_cast %get3A_434 : vector<1x16xf32> to vector<16xf32>
        %max3A_436 = arith.maximumf %scan3A_398, %get3A_435 : vector<16xf32>
        %scan3A_437 = arith.constant 1 : i32
        %scan3A_438 = arith.addi %scan3A_390, %scan3A_437 : i32
        %get3A_439 = arith.index_cast %scan3A_438 : i32 to index
        %get3A_440 = arith.constant 0 : index
        %get3A_441 = tpu.vector_load %arg7[%get3A_439, %get3A_440] {strides = array<i32>} : memref<200x128xf32, #tpu.memory_space<vmem>>, vector<1x16xf32>,
        %get3A_442 = vector.shape_cast %get3A_441 : vector<1x16xf32> to vector<16xf32>
        %max3A_443 = arith.maximumf %max3A, %get3A_442 : vector<16xf32>
        %get3A_444 = arith.index_cast %scan3A_438 : i32 to index
        %get3A_445 = arith.constant 16 : index
        %get3A_446 = tpu.vector_load %arg7[%get3A_444, %get3A_445] {strides = array<i32>} : memref<200x128xf32, #tpu.memory_space<vmem>>, vector<1x16xf32>,
        %get3A_447 = vector.shape_cast %get3A_446 : vector<1x16xf32> to vector<16xf32>
        %max3A_448 = arith.maximumf %max3A_406, %get3A_447 : vector<16xf32>
        %get3A_449 = arith.index_cast %scan3A_438 : i32 to index
        %get3A_450 = arith.constant 32 : index
        %get3A_451 = tpu.vector_load %arg7[%get3A_449, %get3A_450] {strides = array<i32>} : memref<200x128xf32, #tpu.memory_space<vmem>>, vector<1x16xf32>,
        %get3A_452 = vector.shape_cast %get3A_451 : vector<1x16xf32> to vector<16xf32>
        %max3A_453 = arith.maximumf %max3A_411, %get3A_452 : vector<16xf32>
        %get3A_454 = arith.index_cast %scan3A_438 : i32 to index
        %get3A_455 = arith.constant 48 : index
        %get3A_456 = tpu.vector_load %arg7[%get3A_454, %get3A_455] {strides = array<i32>} : memref<200x128xf32, #tpu.memory_space<vmem>>, vector<1x16xf32>,
        %get3A_457 = vector.shape_cast %get3A_456 : vector<1x16xf32> to vector<16xf32>
        %max3A_458 = arith.maximumf %max3A_416, %get3A_457 : vector<16xf32>
        %get3A_459 = arith.index_cast %scan3A_438 : i32 to index
        %get3A_460 = arith.constant 64 : index
        %get3A_461 = tpu.vector_load %arg7[%get3A_459, %get3A_460] {strides = array<i32>} : memref<200x128xf32, #tpu.memory_space<vmem>>, vector<1x16xf32>,
        %get3A_462 = vector.shape_cast %get3A_461 : vector<1x16xf32> to vector<16xf32>
        %max3A_463 = arith.maximumf %max3A_421, %get3A_462 : vector<16xf32>
        %get3A_464 = arith.index_cast %scan3A_438 : i32 to index
        %get3A_465 = arith.constant 80 : index
        %get3A_466 = tpu.vector_load %arg7[%get3A_464, %get3A_465] {strides = array<i32>} : memref<200x128xf32, #tpu.memory_space<vmem>>, vector<1x16xf32>,
        %get3A_467 = vector.shape_cast %get3A_466 : vector<1x16xf32> to vector<16xf32>
        %max3A_468 = arith.maximumf %max3A_426, %get3A_467 : vector<16xf32>
        %get3A_469 = arith.index_cast %scan3A_438 : i32 to index
        %get3A_470 = arith.constant 96 : index
        %get3A_471 = tpu.vector_load %arg7[%get3A_469, %get3A_470] {strides = array<i32>} : memref<200x128xf32, #tpu.memory_space<vmem>>, vector<1x16xf32>,
        %get3A_472 = vector.shape_cast %get3A_471 : vector<1x16xf32> to vector<16xf32>
        %max3A_473 = arith.maximumf %max3A_431, %get3A_472 : vector<16xf32>
        %get3A_474 = arith.index_cast %scan3A_438 : i32 to index
        %get3A_475 = arith.constant 112 : index
        %get3A_476 = tpu.vector_load %arg7[%get3A_474, %get3A_475] {strides = array<i32>} : memref<200x128xf32, #tpu.memory_space<vmem>>, vector<1x16xf32>,
        %get3A_477 = vector.shape_cast %get3A_476 : vector<1x16xf32> to vector<16xf32>
        %max3A_478 = arith.maximumf %max3A_436, %get3A_477 : vector<16xf32>
        scf.yield %max3A_443, %max3A_448, %max3A_453, %max3A_458, %max3A_463, %max3A_468, %max3A_473, %max3A_478 : vector<16xf32>, vector<16xf32>, vector<16xf32>, vector<16xf32>, vector<16xf32>, vector<16xf32>, vector<16xf32>, vector<16xf32>
      }
      %scan3A_199 = arith.constant 200 : i32
      %swap3A_200 = arith.index_cast %add3A_177 : i32 to index
      %swap3A_201 = arith.constant 0 : index
      %swap3A_202 = tpu.vector_load %arg10[%swap3A_200, %swap3A_201] {strides = array<i32>} : memref<32x128xf32, #tpu.memory_space<vmem>>, vector<1x16xf32>,
      %swap3A_203 = vector.shape_cast %swap3A_202 : vector<1x16xf32> to vector<16xf32>
      %swap3A_204 = vector.shape_cast %scan3A_198#0 : vector<16xf32> to vector<1x16xf32>
      tpu.vector_store %arg10[%swap3A_200, %swap3A_201], %swap3A_204 {strides = array<i32>} : memref<32x128xf32, #tpu.memory_space<vmem>>, vector<1x16xf32>,
      %swap3A_205 = arith.index_cast %add3A_177 : i32 to index
      %swap3A_206 = arith.constant 16 : index
      %swap3A_207 = tpu.vector_load %arg10[%swap3A_205, %swap3A_206] {strides = array<i32>} : memref<32x128xf32, #tpu.memory_space<vmem>>, vector<1x16xf32>,
      %swap3A_208 = vector.shape_cast %swap3A_207 : vector<1x16xf32> to vector<16xf32>
      %swap3A_209 = vector.shape_cast %scan3A_198#1 : vector<16xf32> to vector<1x16xf32>
      tpu.vector_store %arg10[%swap3A_205, %swap3A_206], %swap3A_209 {strides = array<i32>} : memref<32x128xf32, #tpu.memory_space<vmem>>, vector<1x16xf32>,
      %swap3A_210 = arith.index_cast %add3A_177 : i32 to index
      %swap3A_211 = arith.constant 32 : index
      %swap3A_212 = tpu.vector_load %arg10[%swap3A_210, %swap3A_211] {strides = array<i32>} : memref<32x128xf32, #tpu.memory_space<vmem>>, vector<1x16xf32>,
      %swap3A_213 = vector.shape_cast %swap3A_212 : vector<1x16xf32> to vector<16xf32>
      %swap3A_214 = vector.shape_cast %scan3A_198#2 : vector<16xf32> to vector<1x16xf32>
      tpu.vector_store %arg10[%swap3A_210, %swap3A_211], %swap3A_214 {strides = array<i32>} : memref<32x128xf32, #tpu.memory_space<vmem>>, vector<1x16xf32>,
      %swap3A_215 = arith.index_cast %add3A_177 : i32 to index
      %swap3A_216 = arith.constant 48 : index
      %swap3A_217 = tpu.vector_load %arg10[%swap3A_215, %swap3A_216] {strides = array<i32>} : memref<32x128xf32, #tpu.memory_space<vmem>>, vector<1x16xf32>,
      %swap3A_218 = vector.shape_cast %swap3A_217 : vector<1x16xf32> to vector<16xf32>
      %swap3A_219 = vector.shape_cast %scan3A_198#3 : vector<16xf32> to vector<1x16xf32>
      tpu.vector_store %arg10[%swap3A_215, %swap3A_216], %swap3A_219 {strides = array<i32>} : memref<32x128xf32, #tpu.memory_space<vmem>>, vector<1x16xf32>,
      %swap3A_220 = arith.index_cast %add3A_177 : i32 to index
      %swap3A_221 = arith.constant 64 : index
      %swap3A_222 = tpu.vector_load %arg10[%swap3A_220, %swap3A_221] {strides = array<i32>} : memref<32x128xf32, #tpu.memory_space<vmem>>, vector<1x16xf32>,
      %swap3A_223 = vector.shape_cast %swap3A_222 : vector<1x16xf32> to vector<16xf32>
      %swap3A_224 = vector.shape_cast %scan3A_198#4 : vector<16xf32> to vector<1x16xf32>
      tpu.vector_store %arg10[%swap3A_220, %swap3A_221], %swap3A_224 {strides = array<i32>} : memref<32x128xf32, #tpu.memory_space<vmem>>, vector<1x16xf32>,
      %swap3A_225 = arith.index_cast %add3A_177 : i32 to index
      %swap3A_226 = arith.constant 80 : index
      %swap3A_227 = tpu.vector_load %arg10[%swap3A_225, %swap3A_226] {strides = array<i32>} : memref<32x128xf32, #tpu.memory_space<vmem>>, vector<1x16xf32>,
      %swap3A_228 = vector.shape_cast %swap3A_227 : vector<1x16xf32> to vector<16xf32>
      %swap3A_229 = vector.shape_cast %scan3A_198#5 : vector<16xf32> to vector<1x16xf32>
      tpu.vector_store %arg10[%swap3A_225, %swap3A_226], %swap3A_229 {strides = array<i32>} : memref<32x128xf32, #tpu.memory_space<vmem>>, vector<1x16xf32>,
      %swap3A_230 = arith.index_cast %add3A_177 : i32 to index
      %swap3A_231 = arith.constant 96 : index
      %swap3A_232 = tpu.vector_load %arg10[%swap3A_230, %swap3A_231] {strides = array<i32>} : memref<32x128xf32, #tpu.memory_space<vmem>>, vector<1x16xf32>,
      %swap3A_233 = vector.shape_cast %swap3A_232 : vector<1x16xf32> to vector<16xf32>
      %swap3A_234 = vector.shape_cast %scan3A_198#6 : vector<16xf32> to vector<1x16xf32>
      tpu.vector_store %arg10[%swap3A_230, %swap3A_231], %swap3A_234 {strides = array<i32>} : memref<32x128xf32, #tpu.memory_space<vmem>>, vector<1x16xf32>,
      %swap3A_235 = arith.index_cast %add3A_177 : i32 to index
      %swap3A_236 = arith.constant 112 : index
      %swap3A_237 = tpu.vector_load %arg10[%swap3A_235, %swap3A_236] {strides = array<i32>} : memref<32x128xf32, #tpu.memory_space<vmem>>, vector<1x16xf32>,
      %swap3A_238 = vector.shape_cast %swap3A_237 : vector<1x16xf32> to vector<16xf32>
      %swap3A_239 = vector.shape_cast %scan3A_198#7 : vector<16xf32> to vector<1x16xf32>
      tpu.vector_store %arg10[%swap3A_235, %swap3A_236], %swap3A_239 {strides = array<i32>} : memref<32x128xf32, #tpu.memory_space<vmem>>, vector<1x16xf32>,
      %dma_wait3A_240 = arith.constant 0 : i32
      %dma_wait3A_241 = arith.constant 0 : i32
      %dma_wait3A_242 = tpu.memref_slice %arg2[%dma_wait3A_240, %dma_wait3A_241] : memref<100000x128xf32, #tpu.memory_space<hbm>> -> memref<200x128xf32, #tpu.memory_space<hbm>>
      %dma_wait3A_243 = arith.constant 0 : i32
      %dma_wait3A_244 = arith.constant 0 : i32
      %dma_wait3A_245 = tpu.memref_slice %arg2[%dma_wait3A_243, %dma_wait3A_244] : memref<100000x128xf32, #tpu.memory_space<hbm>> -> memref<200x128xf32, #tpu.memory_space<hbm>>
      tpu.wait_dma2 semaphore(%arg13 : memref<!tpu.dma_semaphore, #tpu.memory_space<semaphore_mem>>) src(%dma_wait3A_245 : memref<200x128xf32, #tpu.memory_space<hbm>>) dst(%arg8 : memref<200x128xf32, #tpu.memory_space<vmem>>)
      %lt3A_246 = arith.constant 7 : i32
      %lt3A_247 = arith.cmpi slt, %scan3A_93, %lt3A_246 : i32
      %convert_element_type3A_248 = arith.extui %lt3A_247 : i1 to i32
      %cond3A_249 = arith.constant 0 : i32
      %cond3A_250 = arith.cmpi ne, %convert_element_type3A_248, %cond3A_249 : i32
      scf.if %cond3A_250 {
        %add3A_390 = arith.constant 2 : i32
        %add3A_391 = arith.addi %mul3A_95, %add3A_390 : i32
        %add3A_392 = arith.constant 4 : i32
        %add3A_393 = arith.addi %add3A_391, %add3A_392 : i32
        %mul3A_394 = arith.constant 2 : i32
        %mul3A_395 = arith.muli %mul3A_394, %add3A_393 : i32
        %dma_start3A_396 = arith.constant 0 : i32
        %dma_start3A_397 = arith.constant 0 : i32
        %dma_start3A_398 = tpu.memref_slice %arg8[%dma_start3A_396, %dma_start3A_397] : memref<200x128xf32, #tpu.memory_space<vmem>> -> memref<100x128xf32, #tpu.memory_space<vmem>>
        %dma_start3A_399 = arith.constant 0 : i32
        %dma_start3A_400 = tpu.memref_slice %arg5[%mul3A_395, %dma_start3A_399] : memref<64x100xi32, #tpu.memory_space<vmem>> -> memref<1x100xi32, #tpu.memory_space<vmem>>
        %dma_start3A_401 = tpu.memref_squeeze %dma_start3A_400 : memref<1x100xi32, #tpu.memory_space<vmem>> -> memref<100xi32, #tpu.memory_space<vmem>>
        %dma_start3A_402 = arith.constant 0 : i32
        %dma_start3A_403 = arith.constant 0 : i32
        %dma_start3A_404 = tpu.memref_slice %arg2[%dma_start3A_402, %dma_start3A_403] : memref<100000x128xf32, #tpu.memory_space<hbm>> -> memref<100000x128xf32, #tpu.memory_space<hbm>>
        tpu.enqueue_indirect_dma source(%dma_start3A_404 : memref<100000x128xf32, #tpu.memory_space<hbm>>) target(%dma_start3A_398 : memref<100x128xf32, #tpu.memory_space<vmem>>) offsets(%dma_start3A_401 : memref<100xi32, #tpu.memory_space<vmem>>) semaphore(%arg13 : memref<!tpu.dma_semaphore, #tpu.memory_space<semaphore_mem>>)
        %add3A_405 = arith.constant 1 : i32
        %add3A_406 = arith.addi %mul3A_395, %add3A_405 : i32
        %dma_start3A_407 = arith.constant 100 : i32
        %dma_start3A_408 = arith.constant 0 : i32
        %dma_start3A_409 = tpu.memref_slice %arg8[%dma_start3A_407, %dma_start3A_408] : memref<200x128xf32, #tpu.memory_space<vmem>> -> memref<100x128xf32, #tpu.memory_space<vmem>>
        %dma_start3A_410 = arith.constant 0 : i32
        %dma_start3A_411 = tpu.memref_slice %arg5[%add3A_406, %dma_start3A_410] : memref<64x100xi32, #tpu.memory_space<vmem>> -> memref<1x100xi32, #tpu.memory_space<vmem>>
        %dma_start3A_412 = tpu.memref_squeeze %dma_start3A_411 : memref<1x100xi32, #tpu.memory_space<vmem>> -> memref<100xi32, #tpu.memory_space<vmem>>
        %dma_start3A_413 = arith.constant 0 : i32
        %dma_start3A_414 = arith.constant 0 : i32
        %dma_start3A_415 = tpu.memref_slice %arg2[%dma_start3A_413, %dma_start3A_414] : memref<100000x128xf32, #tpu.memory_space<hbm>> -> memref<100000x128xf32, #tpu.memory_space<hbm>>
        tpu.enqueue_indirect_dma source(%dma_start3A_415 : memref<100000x128xf32, #tpu.memory_space<hbm>>) target(%dma_start3A_409 : memref<100x128xf32, #tpu.memory_space<vmem>>) offsets(%dma_start3A_412 : memref<100xi32, #tpu.memory_space<vmem>>) semaphore(%arg13 : memref<!tpu.dma_semaphore, #tpu.memory_space<semaphore_mem>>)
      } else {
      }
      %add3A_251 = arith.constant 2 : i32
      %add3A_252 = arith.addi %mul3A_95, %add3A_251 : i32
      %broadcast_in_dim3A_253 = arith.constant 0xFF800000 : f32
      %broadcast_in_dim3A_254 = vector.broadcast %broadcast_in_dim3A_253 : f32 to vector<16xf32>
      %broadcast_in_dim3A_255 = arith.constant 0xFF800000 : f32
      %broadcast_in_dim3A_256 = vector.broadcast %broadcast_in_dim3A_255 : f32 to vector<16xf32>
      %broadcast_in_dim3A_257 = arith.constant 0xFF800000 : f32
      %broadcast_in_dim3A_258 = vector.broadcast %broadcast_in_dim3A_257 : f32 to vector<16xf32>
      %broadcast_in_dim3A_259 = arith.constant 0xFF800000 : f32
      %broadcast_in_dim3A_260 = vector.broadcast %broadcast_in_dim3A_259 : f32 to vector<16xf32>
      %broadcast_in_dim3A_261 = arith.constant 0xFF800000 : f32
      %broadcast_in_dim3A_262 = vector.broadcast %broadcast_in_dim3A_261 : f32 to vector<16xf32>
      %broadcast_in_dim3A_263 = arith.constant 0xFF800000 : f32
      %broadcast_in_dim3A_264 = vector.broadcast %broadcast_in_dim3A_263 : f32 to vector<16xf32>
      %broadcast_in_dim3A_265 = arith.constant 0xFF800000 : f32
      %broadcast_in_dim3A_266 = vector.broadcast %broadcast_in_dim3A_265 : f32 to vector<16xf32>
      %broadcast_in_dim3A_267 = arith.constant 0xFF800000 : f32
      %broadcast_in_dim3A_268 = vector.broadcast %broadcast_in_dim3A_267 : f32 to vector<16xf32>
      %scan3A_269 = arith.constant 0 : i32
      %scan3A_270 = arith.constant 200 : i32
      %scan3A_271 = arith.addi %scan3A_269, %scan3A_270 : i32
      %scan3A_272 = arith.constant 2 : i32
      %scan3A_273:8 = scf.for %scan3A_390 = %scan3A_269 to %scan3A_271 step %scan3A_272 iter_args(%scan3A_391 = %broadcast_in_dim3A_254, %scan3A_392 = %broadcast_in_dim3A_256, %scan3A_393 = %broadcast_in_dim3A_258, %scan3A_394 = %broadcast_in_dim3A_260, %scan3A_395 = %broadcast_in_dim3A_262, %scan3A_396 = %broadcast_in_dim3A_264, %scan3A_397 = %broadcast_in_dim3A_266, %scan3A_398 = %broadcast_in_dim3A_268) -> (vector<16xf32>, vector<16xf32>, vector<16xf32>, vector<16xf32>, vector<16xf32>, vector<16xf32>, vector<16xf32>, vector<16xf32>)  : i32 {
        %get3A = arith.index_cast %scan3A_390 : i32 to index
        %get3A_399 = arith.constant 0 : index
        %get3A_400 = tpu.vector_load %arg8[%get3A, %get3A_399] {strides = array<i32>} : memref<200x128xf32, #tpu.memory_space<vmem>>, vector<1x16xf32>,
        %get3A_401 = vector.shape_cast %get3A_400 : vector<1x16xf32> to vector<16xf32>
        %max3A = arith.maximumf %scan3A_391, %get3A_401 : vector<16xf32>
        %get3A_402 = arith.index_cast %scan3A_390 : i32 to index
        %get3A_403 = arith.constant 16 : index
        %get3A_404 = tpu.vector_load %arg8[%get3A_402, %get3A_403] {strides = array<i32>} : memref<200x128xf32, #tpu.memory_space<vmem>>, vector<1x16xf32>,
        %get3A_405 = vector.shape_cast %get3A_404 : vector<1x16xf32> to vector<16xf32>
        %max3A_406 = arith.maximumf %scan3A_392, %get3A_405 : vector<16xf32>
        %get3A_407 = arith.index_cast %scan3A_390 : i32 to index
        %get3A_408 = arith.constant 32 : index
        %get3A_409 = tpu.vector_load %arg8[%get3A_407, %get3A_408] {strides = array<i32>} : memref<200x128xf32, #tpu.memory_space<vmem>>, vector<1x16xf32>,
        %get3A_410 = vector.shape_cast %get3A_409 : vector<1x16xf32> to vector<16xf32>
        %max3A_411 = arith.maximumf %scan3A_393, %get3A_410 : vector<16xf32>
        %get3A_412 = arith.index_cast %scan3A_390 : i32 to index
        %get3A_413 = arith.constant 48 : index
        %get3A_414 = tpu.vector_load %arg8[%get3A_412, %get3A_413] {strides = array<i32>} : memref<200x128xf32, #tpu.memory_space<vmem>>, vector<1x16xf32>,
        %get3A_415 = vector.shape_cast %get3A_414 : vector<1x16xf32> to vector<16xf32>
        %max3A_416 = arith.maximumf %scan3A_394, %get3A_415 : vector<16xf32>
        %get3A_417 = arith.index_cast %scan3A_390 : i32 to index
        %get3A_418 = arith.constant 64 : index
        %get3A_419 = tpu.vector_load %arg8[%get3A_417, %get3A_418] {strides = array<i32>} : memref<200x128xf32, #tpu.memory_space<vmem>>, vector<1x16xf32>,
        %get3A_420 = vector.shape_cast %get3A_419 : vector<1x16xf32> to vector<16xf32>
        %max3A_421 = arith.maximumf %scan3A_395, %get3A_420 : vector<16xf32>
        %get3A_422 = arith.index_cast %scan3A_390 : i32 to index
        %get3A_423 = arith.constant 80 : index
        %get3A_424 = tpu.vector_load %arg8[%get3A_422, %get3A_423] {strides = array<i32>} : memref<200x128xf32, #tpu.memory_space<vmem>>, vector<1x16xf32>,
        %get3A_425 = vector.shape_cast %get3A_424 : vector<1x16xf32> to vector<16xf32>
        %max3A_426 = arith.maximumf %scan3A_396, %get3A_425 : vector<16xf32>
        %get3A_427 = arith.index_cast %scan3A_390 : i32 to index
        %get3A_428 = arith.constant 96 : index
        %get3A_429 = tpu.vector_load %arg8[%get3A_427, %get3A_428] {strides = array<i32>} : memref<200x128xf32, #tpu.memory_space<vmem>>, vector<1x16xf32>,
        %get3A_430 = vector.shape_cast %get3A_429 : vector<1x16xf32> to vector<16xf32>
        %max3A_431 = arith.maximumf %scan3A_397, %get3A_430 : vector<16xf32>
        %get3A_432 = arith.index_cast %scan3A_390 : i32 to index
        %get3A_433 = arith.constant 112 : index
        %get3A_434 = tpu.vector_load %arg8[%get3A_432, %get3A_433] {strides = array<i32>} : memref<200x128xf32, #tpu.memory_space<vmem>>, vector<1x16xf32>,
        %get3A_435 = vector.shape_cast %get3A_434 : vector<1x16xf32> to vector<16xf32>
        %max3A_436 = arith.maximumf %scan3A_398, %get3A_435 : vector<16xf32>
        %scan3A_437 = arith.constant 1 : i32
        %scan3A_438 = arith.addi %scan3A_390, %scan3A_437 : i32
        %get3A_439 = arith.index_cast %scan3A_438 : i32 to index
        %get3A_440 = arith.constant 0 : index
        %get3A_441 = tpu.vector_load %arg8[%get3A_439, %get3A_440] {strides = array<i32>} : memref<200x128xf32, #tpu.memory_space<vmem>>, vector<1x16xf32>,
        %get3A_442 = vector.shape_cast %get3A_441 : vector<1x16xf32> to vector<16xf32>
        %max3A_443 = arith.maximumf %max3A, %get3A_442 : vector<16xf32>
        %get3A_444 = arith.index_cast %scan3A_438 : i32 to index
        %get3A_445 = arith.constant 16 : index
        %get3A_446 = tpu.vector_load %arg8[%get3A_444, %get3A_445] {strides = array<i32>} : memref<200x128xf32, #tpu.memory_space<vmem>>, vector<1x16xf32>,
        %get3A_447 = vector.shape_cast %get3A_446 : vector<1x16xf32> to vector<16xf32>
        %max3A_448 = arith.maximumf %max3A_406, %get3A_447 : vector<16xf32>
        %get3A_449 = arith.index_cast %scan3A_438 : i32 to index
        %get3A_450 = arith.constant 32 : index
        %get3A_451 = tpu.vector_load %arg8[%get3A_449, %get3A_450] {strides = array<i32>} : memref<200x128xf32, #tpu.memory_space<vmem>>, vector<1x16xf32>,
        %get3A_452 = vector.shape_cast %get3A_451 : vector<1x16xf32> to vector<16xf32>
        %max3A_453 = arith.maximumf %max3A_411, %get3A_452 : vector<16xf32>
        %get3A_454 = arith.index_cast %scan3A_438 : i32 to index
        %get3A_455 = arith.constant 48 : index
        %get3A_456 = tpu.vector_load %arg8[%get3A_454, %get3A_455] {strides = array<i32>} : memref<200x128xf32, #tpu.memory_space<vmem>>, vector<1x16xf32>,
        %get3A_457 = vector.shape_cast %get3A_456 : vector<1x16xf32> to vector<16xf32>
        %max3A_458 = arith.maximumf %max3A_416, %get3A_457 : vector<16xf32>
        %get3A_459 = arith.index_cast %scan3A_438 : i32 to index
        %get3A_460 = arith.constant 64 : index
        %get3A_461 = tpu.vector_load %arg8[%get3A_459, %get3A_460] {strides = array<i32>} : memref<200x128xf32, #tpu.memory_space<vmem>>, vector<1x16xf32>,
        %get3A_462 = vector.shape_cast %get3A_461 : vector<1x16xf32> to vector<16xf32>
        %max3A_463 = arith.maximumf %max3A_421, %get3A_462 : vector<16xf32>
        %get3A_464 = arith.index_cast %scan3A_438 : i32 to index
        %get3A_465 = arith.constant 80 : index
        %get3A_466 = tpu.vector_load %arg8[%get3A_464, %get3A_465] {strides = array<i32>} : memref<200x128xf32, #tpu.memory_space<vmem>>, vector<1x16xf32>,
        %get3A_467 = vector.shape_cast %get3A_466 : vector<1x16xf32> to vector<16xf32>
        %max3A_468 = arith.maximumf %max3A_426, %get3A_467 : vector<16xf32>
        %get3A_469 = arith.index_cast %scan3A_438 : i32 to index
        %get3A_470 = arith.constant 96 : index
        %get3A_471 = tpu.vector_load %arg8[%get3A_469, %get3A_470] {strides = array<i32>} : memref<200x128xf32, #tpu.memory_space<vmem>>, vector<1x16xf32>,
        %get3A_472 = vector.shape_cast %get3A_471 : vector<1x16xf32> to vector<16xf32>
        %max3A_473 = arith.maximumf %max3A_431, %get3A_472 : vector<16xf32>
        %get3A_474 = arith.index_cast %scan3A_438 : i32 to index
        %get3A_475 = arith.constant 112 : index
        %get3A_476 = tpu.vector_load %arg8[%get3A_474, %get3A_475] {strides = array<i32>} : memref<200x128xf32, #tpu.memory_space<vmem>>, vector<1x16xf32>,
        %get3A_477 = vector.shape_cast %get3A_476 : vector<1x16xf32> to vector<16xf32>
        %max3A_478 = arith.maximumf %max3A_436, %get3A_477 : vector<16xf32>
        scf.yield %max3A_443, %max3A_448, %max3A_453, %max3A_458, %max3A_463, %max3A_468, %max3A_473, %max3A_478 : vector<16xf32>, vector<16xf32>, vector<16xf32>, vector<16xf32>, vector<16xf32>, vector<16xf32>, vector<16xf32>, vector<16xf32>
      }
      %scan3A_274 = arith.constant 200 : i32
      %swap3A_275 = arith.index_cast %add3A_252 : i32 to index
      %swap3A_276 = arith.constant 0 : index
      %swap3A_277 = tpu.vector_load %arg10[%swap3A_275, %swap3A_276] {strides = array<i32>} : memref<32x128xf32, #tpu.memory_space<vmem>>, vector<1x16xf32>,
      %swap3A_278 = vector.shape_cast %swap3A_277 : vector<1x16xf32> to vector<16xf32>
      %swap3A_279 = vector.shape_cast %scan3A_273#0 : vector<16xf32> to vector<1x16xf32>
      tpu.vector_store %arg10[%swap3A_275, %swap3A_276], %swap3A_279 {strides = array<i32>} : memref<32x128xf32, #tpu.memory_space<vmem>>, vector<1x16xf32>,
      %swap3A_280 = arith.index_cast %add3A_252 : i32 to index
      %swap3A_281 = arith.constant 16 : index
      %swap3A_282 = tpu.vector_load %arg10[%swap3A_280, %swap3A_281] {strides = array<i32>} : memref<32x128xf32, #tpu.memory_space<vmem>>, vector<1x16xf32>,
      %swap3A_283 = vector.shape_cast %swap3A_282 : vector<1x16xf32> to vector<16xf32>
      %swap3A_284 = vector.shape_cast %scan3A_273#1 : vector<16xf32> to vector<1x16xf32>
      tpu.vector_store %arg10[%swap3A_280, %swap3A_281], %swap3A_284 {strides = array<i32>} : memref<32x128xf32, #tpu.memory_space<vmem>>, vector<1x16xf32>,
      %swap3A_285 = arith.index_cast %add3A_252 : i32 to index
      %swap3A_286 = arith.constant 32 : index
      %swap3A_287 = tpu.vector_load %arg10[%swap3A_285, %swap3A_286] {strides = array<i32>} : memref<32x128xf32, #tpu.memory_space<vmem>>, vector<1x16xf32>,
      %swap3A_288 = vector.shape_cast %swap3A_287 : vector<1x16xf32> to vector<16xf32>
      %swap3A_289 = vector.shape_cast %scan3A_273#2 : vector<16xf32> to vector<1x16xf32>
      tpu.vector_store %arg10[%swap3A_285, %swap3A_286], %swap3A_289 {strides = array<i32>} : memref<32x128xf32, #tpu.memory_space<vmem>>, vector<1x16xf32>,
      %swap3A_290 = arith.index_cast %add3A_252 : i32 to index
      %swap3A_291 = arith.constant 48 : index
      %swap3A_292 = tpu.vector_load %arg10[%swap3A_290, %swap3A_291] {strides = array<i32>} : memref<32x128xf32, #tpu.memory_space<vmem>>, vector<1x16xf32>,
      %swap3A_293 = vector.shape_cast %swap3A_292 : vector<1x16xf32> to vector<16xf32>
      %swap3A_294 = vector.shape_cast %scan3A_273#3 : vector<16xf32> to vector<1x16xf32>
      tpu.vector_store %arg10[%swap3A_290, %swap3A_291], %swap3A_294 {strides = array<i32>} : memref<32x128xf32, #tpu.memory_space<vmem>>, vector<1x16xf32>,
      %swap3A_295 = arith.index_cast %add3A_252 : i32 to index
      %swap3A_296 = arith.constant 64 : index
      %swap3A_297 = tpu.vector_load %arg10[%swap3A_295, %swap3A_296] {strides = array<i32>} : memref<32x128xf32, #tpu.memory_space<vmem>>, vector<1x16xf32>,
      %swap3A_298 = vector.shape_cast %swap3A_297 : vector<1x16xf32> to vector<16xf32>
      %swap3A_299 = vector.shape_cast %scan3A_273#4 : vector<16xf32> to vector<1x16xf32>
      tpu.vector_store %arg10[%swap3A_295, %swap3A_296], %swap3A_299 {strides = array<i32>} : memref<32x128xf32, #tpu.memory_space<vmem>>, vector<1x16xf32>,
      %swap3A_300 = arith.index_cast %add3A_252 : i32 to index
      %swap3A_301 = arith.constant 80 : index
      %swap3A_302 = tpu.vector_load %arg10[%swap3A_300, %swap3A_301] {strides = array<i32>} : memref<32x128xf32, #tpu.memory_space<vmem>>, vector<1x16xf32>,
      %swap3A_303 = vector.shape_cast %swap3A_302 : vector<1x16xf32> to vector<16xf32>
      %swap3A_304 = vector.shape_cast %scan3A_273#5 : vector<16xf32> to vector<1x16xf32>
      tpu.vector_store %arg10[%swap3A_300, %swap3A_301], %swap3A_304 {strides = array<i32>} : memref<32x128xf32, #tpu.memory_space<vmem>>, vector<1x16xf32>,
      %swap3A_305 = arith.index_cast %add3A_252 : i32 to index
      %swap3A_306 = arith.constant 96 : index
      %swap3A_307 = tpu.vector_load %arg10[%swap3A_305, %swap3A_306] {strides = array<i32>} : memref<32x128xf32, #tpu.memory_space<vmem>>, vector<1x16xf32>,
      %swap3A_308 = vector.shape_cast %swap3A_307 : vector<1x16xf32> to vector<16xf32>
      %swap3A_309 = vector.shape_cast %scan3A_273#6 : vector<16xf32> to vector<1x16xf32>
      tpu.vector_store %arg10[%swap3A_305, %swap3A_306], %swap3A_309 {strides = array<i32>} : memref<32x128xf32, #tpu.memory_space<vmem>>, vector<1x16xf32>,
      %swap3A_310 = arith.index_cast %add3A_252 : i32 to index
      %swap3A_311 = arith.constant 112 : index
      %swap3A_312 = tpu.vector_load %arg10[%swap3A_310, %swap3A_311] {strides = array<i32>} : memref<32x128xf32, #tpu.memory_space<vmem>>, vector<1x16xf32>,
      %swap3A_313 = vector.shape_cast %swap3A_312 : vector<1x16xf32> to vector<16xf32>
      %swap3A_314 = vector.shape_cast %scan3A_273#7 : vector<16xf32> to vector<1x16xf32>
      tpu.vector_store %arg10[%swap3A_310, %swap3A_311], %swap3A_314 {strides = array<i32>} : memref<32x128xf32, #tpu.memory_space<vmem>>, vector<1x16xf32>,
      %dma_wait3A_315 = arith.constant 0 : i32
      %dma_wait3A_316 = arith.constant 0 : i32
      %dma_wait3A_317 = tpu.memref_slice %arg2[%dma_wait3A_315, %dma_wait3A_316] : memref<100000x128xf32, #tpu.memory_space<hbm>> -> memref<200x128xf32, #tpu.memory_space<hbm>>
      %dma_wait3A_318 = arith.constant 0 : i32
      %dma_wait3A_319 = arith.constant 0 : i32
      %dma_wait3A_320 = tpu.memref_slice %arg2[%dma_wait3A_318, %dma_wait3A_319] : memref<100000x128xf32, #tpu.memory_space<hbm>> -> memref<200x128xf32, #tpu.memory_space<hbm>>
      tpu.wait_dma2 semaphore(%arg14 : memref<!tpu.dma_semaphore, #tpu.memory_space<semaphore_mem>>) src(%dma_wait3A_320 : memref<200x128xf32, #tpu.memory_space<hbm>>) dst(%arg9 : memref<200x128xf32, #tpu.memory_space<vmem>>)
      %lt3A_321 = arith.constant 7 : i32
      %lt3A_322 = arith.cmpi slt, %scan3A_93, %lt3A_321 : i32
      %convert_element_type3A_323 = arith.extui %lt3A_322 : i1 to i32
      %cond3A_324 = arith.constant 0 : i32
      %cond3A_325 = arith.cmpi ne, %convert_element_type3A_323, %cond3A_324 : i32
      scf.if %cond3A_325 {
        %add3A_390 = arith.constant 3 : i32
        %add3A_391 = arith.addi %mul3A_95, %add3A_390 : i32
        %add3A_392 = arith.constant 4 : i32
        %add3A_393 = arith.addi %add3A_391, %add3A_392 : i32
        %mul3A_394 = arith.constant 2 : i32
        %mul3A_395 = arith.muli %mul3A_394, %add3A_393 : i32
        %dma_start3A_396 = arith.constant 0 : i32
        %dma_start3A_397 = arith.constant 0 : i32
        %dma_start3A_398 = tpu.memref_slice %arg9[%dma_start3A_396, %dma_start3A_397] : memref<200x128xf32, #tpu.memory_space<vmem>> -> memref<100x128xf32, #tpu.memory_space<vmem>>
        %dma_start3A_399 = arith.constant 0 : i32
        %dma_start3A_400 = tpu.memref_slice %arg5[%mul3A_395, %dma_start3A_399] : memref<64x100xi32, #tpu.memory_space<vmem>> -> memref<1x100xi32, #tpu.memory_space<vmem>>
        %dma_start3A_401 = tpu.memref_squeeze %dma_start3A_400 : memref<1x100xi32, #tpu.memory_space<vmem>> -> memref<100xi32, #tpu.memory_space<vmem>>
        %dma_start3A_402 = arith.constant 0 : i32
        %dma_start3A_403 = arith.constant 0 : i32
        %dma_start3A_404 = tpu.memref_slice %arg2[%dma_start3A_402, %dma_start3A_403] : memref<100000x128xf32, #tpu.memory_space<hbm>> -> memref<100000x128xf32, #tpu.memory_space<hbm>>
        tpu.enqueue_indirect_dma source(%dma_start3A_404 : memref<100000x128xf32, #tpu.memory_space<hbm>>) target(%dma_start3A_398 : memref<100x128xf32, #tpu.memory_space<vmem>>) offsets(%dma_start3A_401 : memref<100xi32, #tpu.memory_space<vmem>>) semaphore(%arg14 : memref<!tpu.dma_semaphore, #tpu.memory_space<semaphore_mem>>)
        %add3A_405 = arith.constant 1 : i32
        %add3A_406 = arith.addi %mul3A_395, %add3A_405 : i32
        %dma_start3A_407 = arith.constant 100 : i32
        %dma_start3A_408 = arith.constant 0 : i32
        %dma_start3A_409 = tpu.memref_slice %arg9[%dma_start3A_407, %dma_start3A_408] : memref<200x128xf32, #tpu.memory_space<vmem>> -> memref<100x128xf32, #tpu.memory_space<vmem>>
        %dma_start3A_410 = arith.constant 0 : i32
        %dma_start3A_411 = tpu.memref_slice %arg5[%add3A_406, %dma_start3A_410] : memref<64x100xi32, #tpu.memory_space<vmem>> -> memref<1x100xi32, #tpu.memory_space<vmem>>
        %dma_start3A_412 = tpu.memref_squeeze %dma_start3A_411 : memref<1x100xi32, #tpu.memory_space<vmem>> -> memref<100xi32, #tpu.memory_space<vmem>>
        %dma_start3A_413 = arith.constant 0 : i32
        %dma_start3A_414 = arith.constant 0 : i32
        %dma_start3A_415 = tpu.memref_slice %arg2[%dma_start3A_413, %dma_start3A_414] : memref<100000x128xf32, #tpu.memory_space<hbm>> -> memref<100000x128xf32, #tpu.memory_space<hbm>>
        tpu.enqueue_indirect_dma source(%dma_start3A_415 : memref<100000x128xf32, #tpu.memory_space<hbm>>) target(%dma_start3A_409 : memref<100x128xf32, #tpu.memory_space<vmem>>) offsets(%dma_start3A_412 : memref<100xi32, #tpu.memory_space<vmem>>) semaphore(%arg14 : memref<!tpu.dma_semaphore, #tpu.memory_space<semaphore_mem>>)
      } else {
      }
      %add3A_326 = arith.constant 3 : i32
      %add3A_327 = arith.addi %mul3A_95, %add3A_326 : i32
      %broadcast_in_dim3A_328 = arith.constant 0xFF800000 : f32
      %broadcast_in_dim3A_329 = vector.broadcast %broadcast_in_dim3A_328 : f32 to vector<16xf32>
      %broadcast_in_dim3A_330 = arith.constant 0xFF800000 : f32
      %broadcast_in_dim3A_331 = vector.broadcast %broadcast_in_dim3A_330 : f32 to vector<16xf32>
      %broadcast_in_dim3A_332 = arith.constant 0xFF800000 : f32
      %broadcast_in_dim3A_333 = vector.broadcast %broadcast_in_dim3A_332 : f32 to vector<16xf32>
      %broadcast_in_dim3A_334 = arith.constant 0xFF800000 : f32
      %broadcast_in_dim3A_335 = vector.broadcast %broadcast_in_dim3A_334 : f32 to vector<16xf32>
      %broadcast_in_dim3A_336 = arith.constant 0xFF800000 : f32
      %broadcast_in_dim3A_337 = vector.broadcast %broadcast_in_dim3A_336 : f32 to vector<16xf32>
      %broadcast_in_dim3A_338 = arith.constant 0xFF800000 : f32
      %broadcast_in_dim3A_339 = vector.broadcast %broadcast_in_dim3A_338 : f32 to vector<16xf32>
      %broadcast_in_dim3A_340 = arith.constant 0xFF800000 : f32
      %broadcast_in_dim3A_341 = vector.broadcast %broadcast_in_dim3A_340 : f32 to vector<16xf32>
      %broadcast_in_dim3A_342 = arith.constant 0xFF800000 : f32
      %broadcast_in_dim3A_343 = vector.broadcast %broadcast_in_dim3A_342 : f32 to vector<16xf32>
      %scan3A_344 = arith.constant 0 : i32
      %scan3A_345 = arith.constant 200 : i32
      %scan3A_346 = arith.addi %scan3A_344, %scan3A_345 : i32
      %scan3A_347 = arith.constant 2 : i32
      %scan3A_348:8 = scf.for %scan3A_390 = %scan3A_344 to %scan3A_346 step %scan3A_347 iter_args(%scan3A_391 = %broadcast_in_dim3A_329, %scan3A_392 = %broadcast_in_dim3A_331, %scan3A_393 = %broadcast_in_dim3A_333, %scan3A_394 = %broadcast_in_dim3A_335, %scan3A_395 = %broadcast_in_dim3A_337, %scan3A_396 = %broadcast_in_dim3A_339, %scan3A_397 = %broadcast_in_dim3A_341, %scan3A_398 = %broadcast_in_dim3A_343) -> (vector<16xf32>, vector<16xf32>, vector<16xf32>, vector<16xf32>, vector<16xf32>, vector<16xf32>, vector<16xf32>, vector<16xf32>)  : i32 {
        %get3A = arith.index_cast %scan3A_390 : i32 to index
        %get3A_399 = arith.constant 0 : index
        %get3A_400 = tpu.vector_load %arg9[%get3A, %get3A_399] {strides = array<i32>} : memref<200x128xf32, #tpu.memory_space<vmem>>, vector<1x16xf32>,
        %get3A_401 = vector.shape_cast %get3A_400 : vector<1x16xf32> to vector<16xf32>
        %max3A = arith.maximumf %scan3A_391, %get3A_401 : vector<16xf32>
        %get3A_402 = arith.index_cast %scan3A_390 : i32 to index
        %get3A_403 = arith.constant 16 : index
        %get3A_404 = tpu.vector_load %arg9[%get3A_402, %get3A_403] {strides = array<i32>} : memref<200x128xf32, #tpu.memory_space<vmem>>, vector<1x16xf32>,
        %get3A_405 = vector.shape_cast %get3A_404 : vector<1x16xf32> to vector<16xf32>
        %max3A_406 = arith.maximumf %scan3A_392, %get3A_405 : vector<16xf32>
        %get3A_407 = arith.index_cast %scan3A_390 : i32 to index
        %get3A_408 = arith.constant 32 : index
        %get3A_409 = tpu.vector_load %arg9[%get3A_407, %get3A_408] {strides = array<i32>} : memref<200x128xf32, #tpu.memory_space<vmem>>, vector<1x16xf32>,
        %get3A_410 = vector.shape_cast %get3A_409 : vector<1x16xf32> to vector<16xf32>
        %max3A_411 = arith.maximumf %scan3A_393, %get3A_410 : vector<16xf32>
        %get3A_412 = arith.index_cast %scan3A_390 : i32 to index
        %get3A_413 = arith.constant 48 : index
        %get3A_414 = tpu.vector_load %arg9[%get3A_412, %get3A_413] {strides = array<i32>} : memref<200x128xf32, #tpu.memory_space<vmem>>, vector<1x16xf32>,
        %get3A_415 = vector.shape_cast %get3A_414 : vector<1x16xf32> to vector<16xf32>
        %max3A_416 = arith.maximumf %scan3A_394, %get3A_415 : vector<16xf32>
        %get3A_417 = arith.index_cast %scan3A_390 : i32 to index
        %get3A_418 = arith.constant 64 : index
        %get3A_419 = tpu.vector_load %arg9[%get3A_417, %get3A_418] {strides = array<i32>} : memref<200x128xf32, #tpu.memory_space<vmem>>, vector<1x16xf32>,
        %get3A_420 = vector.shape_cast %get3A_419 : vector<1x16xf32> to vector<16xf32>
        %max3A_421 = arith.maximumf %scan3A_395, %get3A_420 : vector<16xf32>
        %get3A_422 = arith.index_cast %scan3A_390 : i32 to index
        %get3A_423 = arith.constant 80 : index
        %get3A_424 = tpu.vector_load %arg9[%get3A_422, %get3A_423] {strides = array<i32>} : memref<200x128xf32, #tpu.memory_space<vmem>>, vector<1x16xf32>,
        %get3A_425 = vector.shape_cast %get3A_424 : vector<1x16xf32> to vector<16xf32>
        %max3A_426 = arith.maximumf %scan3A_396, %get3A_425 : vector<16xf32>
        %get3A_427 = arith.index_cast %scan3A_390 : i32 to index
        %get3A_428 = arith.constant 96 : index
        %get3A_429 = tpu.vector_load %arg9[%get3A_427, %get3A_428] {strides = array<i32>} : memref<200x128xf32, #tpu.memory_space<vmem>>, vector<1x16xf32>,
        %get3A_430 = vector.shape_cast %get3A_429 : vector<1x16xf32> to vector<16xf32>
        %max3A_431 = arith.maximumf %scan3A_397, %get3A_430 : vector<16xf32>
        %get3A_432 = arith.index_cast %scan3A_390 : i32 to index
        %get3A_433 = arith.constant 112 : index
        %get3A_434 = tpu.vector_load %arg9[%get3A_432, %get3A_433] {strides = array<i32>} : memref<200x128xf32, #tpu.memory_space<vmem>>, vector<1x16xf32>,
        %get3A_435 = vector.shape_cast %get3A_434 : vector<1x16xf32> to vector<16xf32>
        %max3A_436 = arith.maximumf %scan3A_398, %get3A_435 : vector<16xf32>
        %scan3A_437 = arith.constant 1 : i32
        %scan3A_438 = arith.addi %scan3A_390, %scan3A_437 : i32
        %get3A_439 = arith.index_cast %scan3A_438 : i32 to index
        %get3A_440 = arith.constant 0 : index
        %get3A_441 = tpu.vector_load %arg9[%get3A_439, %get3A_440] {strides = array<i32>} : memref<200x128xf32, #tpu.memory_space<vmem>>, vector<1x16xf32>,
        %get3A_442 = vector.shape_cast %get3A_441 : vector<1x16xf32> to vector<16xf32>
        %max3A_443 = arith.maximumf %max3A, %get3A_442 : vector<16xf32>
        %get3A_444 = arith.index_cast %scan3A_438 : i32 to index
        %get3A_445 = arith.constant 16 : index
        %get3A_446 = tpu.vector_load %arg9[%get3A_444, %get3A_445] {strides = array<i32>} : memref<200x128xf32, #tpu.memory_space<vmem>>, vector<1x16xf32>,
        %get3A_447 = vector.shape_cast %get3A_446 : vector<1x16xf32> to vector<16xf32>
        %max3A_448 = arith.maximumf %max3A_406, %get3A_447 : vector<16xf32>
        %get3A_449 = arith.index_cast %scan3A_438 : i32 to index
        %get3A_450 = arith.constant 32 : index
        %get3A_451 = tpu.vector_load %arg9[%get3A_449, %get3A_450] {strides = array<i32>} : memref<200x128xf32, #tpu.memory_space<vmem>>, vector<1x16xf32>,
        %get3A_452 = vector.shape_cast %get3A_451 : vector<1x16xf32> to vector<16xf32>
        %max3A_453 = arith.maximumf %max3A_411, %get3A_452 : vector<16xf32>
        %get3A_454 = arith.index_cast %scan3A_438 : i32 to index
        %get3A_455 = arith.constant 48 : index
        %get3A_456 = tpu.vector_load %arg9[%get3A_454, %get3A_455] {strides = array<i32>} : memref<200x128xf32, #tpu.memory_space<vmem>>, vector<1x16xf32>,
        %get3A_457 = vector.shape_cast %get3A_456 : vector<1x16xf32> to vector<16xf32>
        %max3A_458 = arith.maximumf %max3A_416, %get3A_457 : vector<16xf32>
        %get3A_459 = arith.index_cast %scan3A_438 : i32 to index
        %get3A_460 = arith.constant 64 : index
        %get3A_461 = tpu.vector_load %arg9[%get3A_459, %get3A_460] {strides = array<i32>} : memref<200x128xf32, #tpu.memory_space<vmem>>, vector<1x16xf32>,
        %get3A_462 = vector.shape_cast %get3A_461 : vector<1x16xf32> to vector<16xf32>
        %max3A_463 = arith.maximumf %max3A_421, %get3A_462 : vector<16xf32>
        %get3A_464 = arith.index_cast %scan3A_438 : i32 to index
        %get3A_465 = arith.constant 80 : index
        %get3A_466 = tpu.vector_load %arg9[%get3A_464, %get3A_465] {strides = array<i32>} : memref<200x128xf32, #tpu.memory_space<vmem>>, vector<1x16xf32>,
        %get3A_467 = vector.shape_cast %get3A_466 : vector<1x16xf32> to vector<16xf32>
        %max3A_468 = arith.maximumf %max3A_426, %get3A_467 : vector<16xf32>
        %get3A_469 = arith.index_cast %scan3A_438 : i32 to index
        %get3A_470 = arith.constant 96 : index
        %get3A_471 = tpu.vector_load %arg9[%get3A_469, %get3A_470] {strides = array<i32>} : memref<200x128xf32, #tpu.memory_space<vmem>>, vector<1x16xf32>,
        %get3A_472 = vector.shape_cast %get3A_471 : vector<1x16xf32> to vector<16xf32>
        %max3A_473 = arith.maximumf %max3A_431, %get3A_472 : vector<16xf32>
        %get3A_474 = arith.index_cast %scan3A_438 : i32 to index
        %get3A_475 = arith.constant 112 : index
        %get3A_476 = tpu.vector_load %arg9[%get3A_474, %get3A_475] {strides = array<i32>} : memref<200x128xf32, #tpu.memory_space<vmem>>, vector<1x16xf32>,
        %get3A_477 = vector.shape_cast %get3A_476 : vector<1x16xf32> to vector<16xf32>
        %max3A_478 = arith.maximumf %max3A_436, %get3A_477 : vector<16xf32>
        scf.yield %max3A_443, %max3A_448, %max3A_453, %max3A_458, %max3A_463, %max3A_468, %max3A_473, %max3A_478 : vector<16xf32>, vector<16xf32>, vector<16xf32>, vector<16xf32>, vector<16xf32>, vector<16xf32>, vector<16xf32>, vector<16xf32>
      }
      %scan3A_349 = arith.constant 200 : i32
      %swap3A_350 = arith.index_cast %add3A_327 : i32 to index
      %swap3A_351 = arith.constant 0 : index
      %swap3A_352 = tpu.vector_load %arg10[%swap3A_350, %swap3A_351] {strides = array<i32>} : memref<32x128xf32, #tpu.memory_space<vmem>>, vector<1x16xf32>,
      %swap3A_353 = vector.shape_cast %swap3A_352 : vector<1x16xf32> to vector<16xf32>
      %swap3A_354 = vector.shape_cast %scan3A_348#0 : vector<16xf32> to vector<1x16xf32>
      tpu.vector_store %arg10[%swap3A_350, %swap3A_351], %swap3A_354 {strides = array<i32>} : memref<32x128xf32, #tpu.memory_space<vmem>>, vector<1x16xf32>,
      %swap3A_355 = arith.index_cast %add3A_327 : i32 to index
      %swap3A_356 = arith.constant 16 : index
      %swap3A_357 = tpu.vector_load %arg10[%swap3A_355, %swap3A_356] {strides = array<i32>} : memref<32x128xf32, #tpu.memory_space<vmem>>, vector<1x16xf32>,
      %swap3A_358 = vector.shape_cast %swap3A_357 : vector<1x16xf32> to vector<16xf32>
      %swap3A_359 = vector.shape_cast %scan3A_348#1 : vector<16xf32> to vector<1x16xf32>
      tpu.vector_store %arg10[%swap3A_355, %swap3A_356], %swap3A_359 {strides = array<i32>} : memref<32x128xf32, #tpu.memory_space<vmem>>, vector<1x16xf32>,
      %swap3A_360 = arith.index_cast %add3A_327 : i32 to index
      %swap3A_361 = arith.constant 32 : index
      %swap3A_362 = tpu.vector_load %arg10[%swap3A_360, %swap3A_361] {strides = array<i32>} : memref<32x128xf32, #tpu.memory_space<vmem>>, vector<1x16xf32>,
      %swap3A_363 = vector.shape_cast %swap3A_362 : vector<1x16xf32> to vector<16xf32>
      %swap3A_364 = vector.shape_cast %scan3A_348#2 : vector<16xf32> to vector<1x16xf32>
      tpu.vector_store %arg10[%swap3A_360, %swap3A_361], %swap3A_364 {strides = array<i32>} : memref<32x128xf32, #tpu.memory_space<vmem>>, vector<1x16xf32>,
      %swap3A_365 = arith.index_cast %add3A_327 : i32 to index
      %swap3A_366 = arith.constant 48 : index
      %swap3A_367 = tpu.vector_load %arg10[%swap3A_365, %swap3A_366] {strides = array<i32>} : memref<32x128xf32, #tpu.memory_space<vmem>>, vector<1x16xf32>,
      %swap3A_368 = vector.shape_cast %swap3A_367 : vector<1x16xf32> to vector<16xf32>
      %swap3A_369 = vector.shape_cast %scan3A_348#3 : vector<16xf32> to vector<1x16xf32>
      tpu.vector_store %arg10[%swap3A_365, %swap3A_366], %swap3A_369 {strides = array<i32>} : memref<32x128xf32, #tpu.memory_space<vmem>>, vector<1x16xf32>,
      %swap3A_370 = arith.index_cast %add3A_327 : i32 to index
      %swap3A_371 = arith.constant 64 : index
      %swap3A_372 = tpu.vector_load %arg10[%swap3A_370, %swap3A_371] {strides = array<i32>} : memref<32x128xf32, #tpu.memory_space<vmem>>, vector<1x16xf32>,
      %swap3A_373 = vector.shape_cast %swap3A_372 : vector<1x16xf32> to vector<16xf32>
      %swap3A_374 = vector.shape_cast %scan3A_348#4 : vector<16xf32> to vector<1x16xf32>
      tpu.vector_store %arg10[%swap3A_370, %swap3A_371], %swap3A_374 {strides = array<i32>} : memref<32x128xf32, #tpu.memory_space<vmem>>, vector<1x16xf32>,
      %swap3A_375 = arith.index_cast %add3A_327 : i32 to index
      %swap3A_376 = arith.constant 80 : index
      %swap3A_377 = tpu.vector_load %arg10[%swap3A_375, %swap3A_376] {strides = array<i32>} : memref<32x128xf32, #tpu.memory_space<vmem>>, vector<1x16xf32>,
      %swap3A_378 = vector.shape_cast %swap3A_377 : vector<1x16xf32> to vector<16xf32>
      %swap3A_379 = vector.shape_cast %scan3A_348#5 : vector<16xf32> to vector<1x16xf32>
      tpu.vector_store %arg10[%swap3A_375, %swap3A_376], %swap3A_379 {strides = array<i32>} : memref<32x128xf32, #tpu.memory_space<vmem>>, vector<1x16xf32>,
      %swap3A_380 = arith.index_cast %add3A_327 : i32 to index
      %swap3A_381 = arith.constant 96 : index
      %swap3A_382 = tpu.vector_load %arg10[%swap3A_380, %swap3A_381] {strides = array<i32>} : memref<32x128xf32, #tpu.memory_space<vmem>>, vector<1x16xf32>,
      %swap3A_383 = vector.shape_cast %swap3A_382 : vector<1x16xf32> to vector<16xf32>
      %swap3A_384 = vector.shape_cast %scan3A_348#6 : vector<16xf32> to vector<1x16xf32>
      tpu.vector_store %arg10[%swap3A_380, %swap3A_381], %swap3A_384 {strides = array<i32>} : memref<32x128xf32, #tpu.memory_space<vmem>>, vector<1x16xf32>,
      %swap3A_385 = arith.index_cast %add3A_327 : i32 to index
      %swap3A_386 = arith.constant 112 : index
      %swap3A_387 = tpu.vector_load %arg10[%swap3A_385, %swap3A_386] {strides = array<i32>} : memref<32x128xf32, #tpu.memory_space<vmem>>, vector<1x16xf32>,
      %swap3A_388 = vector.shape_cast %swap3A_387 : vector<1x16xf32> to vector<16xf32>
      %swap3A_389 = vector.shape_cast %scan3A_348#7 : vector<16xf32> to vector<1x16xf32>
      tpu.vector_store %arg10[%swap3A_385, %swap3A_386], %swap3A_389 {strides = array<i32>} : memref<32x128xf32, #tpu.memory_space<vmem>>, vector<1x16xf32>,
    }
    %scan3A_92 = arith.constant 8 : i32
    "tpu.region"() ({
      %run_scoped3A = tpu.sem_alloc : memref<!tpu.dma_semaphore, #tpu.memory_space<semaphore_mem>>
      %dma_start3A_93 = arith.constant 0 : i32
      %dma_start3A_94 = tpu.memref_slice %arg4[%mul3A_2, %dma_start3A_93] : memref<1024x128xf32, #tpu.memory_space<hbm>> -> memref<32x128xf32, #tpu.memory_space<hbm>>
      %dma_start3A_95 = arith.constant 0 : i32
      %dma_start3A_96 = tpu.memref_slice %arg4[%mul3A_2, %dma_start3A_95] : memref<1024x128xf32, #tpu.memory_space<hbm>> -> memref<32x128xf32, #tpu.memory_space<hbm>>
      tpu.enqueue_dma source(%arg10 : memref<32x128xf32, #tpu.memory_space<vmem>>) target(%dma_start3A_96 : memref<32x128xf32, #tpu.memory_space<hbm>>) target_semaphore(%run_scoped3A : memref<!tpu.dma_semaphore, #tpu.memory_space<semaphore_mem>>)
      %dma_wait3A = arith.constant 0 : i32
      %dma_wait3A_97 = tpu.memref_slice %arg4[%mul3A_2, %dma_wait3A] : memref<1024x128xf32, #tpu.memory_space<hbm>> -> memref<32x128xf32, #tpu.memory_space<hbm>>
      %dma_wait3A_98 = arith.constant 0 : i32
      %dma_wait3A_99 = tpu.memref_slice %arg4[%mul3A_2, %dma_wait3A_98] : memref<1024x128xf32, #tpu.memory_space<hbm>> -> memref<32x128xf32, #tpu.memory_space<hbm>>
      tpu.wait_dma2 semaphore(%run_scoped3A : memref<!tpu.dma_semaphore, #tpu.memory_space<semaphore_mem>>) src(%arg10 : memref<32x128xf32, #tpu.memory_space<vmem>>) dst(%dma_wait3A_99 : memref<32x128xf32, #tpu.memory_space<hbm>>)
      tpu.yield
    }) : () -> ()
    return
  }
}

module attributes {stable_mosaic.version = 14 : i64} {
  func.func @_gnb_body(%arg0: memref<1024x128xf32, #tpu.memory_space<vmem>>, %arg1: memref<32x128xf32, #tpu.memory_space<vmem>>, %arg2: memref<32x128xf32, #tpu.memory_space<vmem>>, %arg3: memref<1x32xf32, #tpu.memory_space<vmem>>, %arg4: memref<1024x32xf32, #tpu.memory_space<vmem>>) attributes {dimension_semantics = [], scalar_prefetch = 0 : i64, scratch_operands = 0 : i64, tpu.core_type = #tpu.core_type<tc>} {
    %get3A = arith.constant 0 : index
    %get3A_0 = arith.constant 0 : index
    %get3A_1 = vector.load %arg0[%get3A, %get3A_0] : memref<1024x128xf32, #tpu.memory_space<vmem>>, vector<1024x128xf32>
    %get3A_2 = arith.constant 0 : index
    %get3A_3 = arith.constant 0 : index
    %get3A_4 = vector.load %arg2[%get3A_2, %get3A_3] : memref<32x128xf32, #tpu.memory_space<vmem>>, vector<32x128xf32>
    %abs3A = math.absf %get3A_4 : vector<32x128xf32>
    %get3A_5 = arith.constant 0 : index
    %get3A_6 = arith.constant 0 : index
    %get3A_7 = vector.load %arg1[%get3A_5, %get3A_6] : memref<32x128xf32, #tpu.memory_space<vmem>>, vector<32x128xf32>
    %div3A = arith.constant 5.000000e-01 : f32
    %div3A_8 = vector.broadcast %div3A : f32 to vector<32x128xf32>
    %div3A_9 = arith.divf %div3A_8, %abs3A : vector<32x128xf32>
    %div3A_10 = arith.divf %get3A_7, %abs3A : vector<32x128xf32>
    %mul3A = arith.constant 6.28318548 : f32
    %mul3A_11 = vector.broadcast %mul3A : f32 to vector<32x128xf32>
    %mul3A_12 = arith.mulf %mul3A_11, %abs3A : vector<32x128xf32>
    %log3A = math.log %mul3A_12 : vector<32x128xf32>
    %mul3A_13 = arith.constant -5.000000e-01 : f32
    %mul3A_14 = vector.broadcast %mul3A_13 : f32 to vector<32x128xf32>
    %mul3A_15 = arith.mulf %mul3A_14, %log3A : vector<32x128xf32>
    %mul3A_16 = arith.mulf %get3A_7, %get3A_7 : vector<32x128xf32>
    %mul3A_17 = arith.mulf %mul3A_16, %div3A_9 : vector<32x128xf32>
    %sub3A = arith.subf %mul3A_15, %mul3A_17 : vector<32x128xf32>
    %broadcast_in_dim3A = arith.constant 1.000000e+00 : f32
    %broadcast_in_dim3A_18 = vector.broadcast %broadcast_in_dim3A : f32 to vector<1x128xf32>
    %dot_general3A = arith.constant dense<0.000000e+00> : vector<1x32xf32>
    %dot_general3A_19 = tpu.matmul %broadcast_in_dim3A_18, %sub3A, %dot_general3A {dimension_numbers = #tpu.dot_dimension_numbers<[1], [1], [0], [0], [0, 0, 1, 0], [], []>, precision = #tpu.contract_precision<fp32>, transpose_lhs_hint = false} : vector<1x128xf32>, vector<32x128xf32>, vector<1x32xf32> -> vector<1x32xf32>
    %get3A_20 = arith.constant 0 : index
    %get3A_21 = arith.constant 0 : index
    %get3A_22 = vector.load %arg3[%get3A_20, %get3A_21] : memref<1x32xf32, #tpu.memory_space<vmem>>, vector<1x32xf32>
    %log3A_23 = math.log %get3A_22 : vector<1x32xf32>
    %add3A = arith.addf %dot_general3A_19, %log3A_23 : vector<1x32xf32>
    %mul3A_24 = arith.mulf %get3A_1, %get3A_1 : vector<1024x128xf32>
    %dot_general3A_25 = arith.constant dense<0.000000e+00> : vector<1024x32xf32>
    %dot_general3A_26 = tpu.matmul %mul3A_24, %div3A_9, %dot_general3A_25 {dimension_numbers = #tpu.dot_dimension_numbers<[1], [1], [0], [0], [0, 0, 1, 0], [], []>, precision = #tpu.contract_precision<fp32>, transpose_lhs_hint = false} : vector<1024x128xf32>, vector<32x128xf32>, vector<1024x32xf32> -> vector<1024x32xf32>
    %dot_general3A_27 = arith.constant dense<0.000000e+00> : vector<1024x32xf32>
    %dot_general3A_28 = tpu.matmul %get3A_1, %div3A_10, %dot_general3A_27 {dimension_numbers = #tpu.dot_dimension_numbers<[1], [1], [0], [0], [0, 0, 1, 0], [], []>, precision = #tpu.contract_precision<fp32>, transpose_lhs_hint = false} : vector<1024x128xf32>, vector<32x128xf32>, vector<1024x32xf32> -> vector<1024x32xf32>
    %sub3A_29 = arith.subf %dot_general3A_28, %dot_general3A_26 : vector<1024x32xf32>
    %add3A_30 = vector.broadcast %add3A : vector<1x32xf32> to vector<1024x32xf32>
    %add3A_31 = arith.addf %sub3A_29, %add3A_30 : vector<1024x32xf32>
    %reduce_max3A = arith.constant dense<0xFF800000> : vector<1024xf32>
    %reduce_max3A_32 = vector.multi_reduction <maximumf>, %add3A_31, %reduce_max3A [1] : vector<1024x32xf32> to vector<1024xf32>
    %broadcast_in_dim3A_33 = vector.shape_cast %reduce_max3A_32 : vector<1024xf32> to vector<1024x1xf32>
    %sub3A_34 = vector.broadcast %broadcast_in_dim3A_33 : vector<1024x1xf32> to vector<1024x32xf32>
    %sub3A_35 = arith.subf %add3A_31, %sub3A_34 : vector<1024x32xf32>
    %exp3A = math.exp %sub3A_35 : vector<1024x32xf32>
    %reduce_sum3A = arith.constant dense<0.000000e+00> : vector<1024xf32>
    %reduce_sum3A_36 = vector.multi_reduction <add>, %exp3A, %reduce_sum3A [1] : vector<1024x32xf32> to vector<1024xf32>
    %broadcast_in_dim3A_37 = vector.shape_cast %reduce_sum3A_36 : vector<1024xf32> to vector<1024x1xf32>
    %div3A_38 = vector.broadcast %broadcast_in_dim3A_37 : vector<1024x1xf32> to vector<1024x32xf32>
    %div3A_39 = arith.divf %exp3A, %div3A_38 : vector<1024x32xf32>
    %swap3A = arith.constant 0 : index
    %swap3A_40 = arith.constant 0 : index
    %swap3A_41 = vector.load %arg4[%swap3A, %swap3A_40] : memref<1024x32xf32, #tpu.memory_space<vmem>>, vector<1024x32xf32>
    tpu.vector_store %arg4[%swap3A, %swap3A_40], %div3A_39 {strides = array<i32>} : memref<1024x32xf32, #tpu.memory_space<vmem>>, vector<1024x32xf32>,
    return
  }
}

</mosaic_0001>

<sc_bundles>
// kernel: kernel.4.cloned.1.call-start
scs
__scs_entry_jumppad:
0x0: {  	(pc) =	sbr.rel $0x88, $3  }
0x1: {  	(tag) =	ssettag $0x0;
	lr =	simm.s32 $0x1  }
0x2: {  	[smem:$0x3F9C] =	sst lr;
	_ =	strace $0xD0000000  }
0x3: {  	_ = 	snop  }
0x4: {  	_ = 	snop  }
0x5: {  	_ = 	snop  }
0x6: {  	_ = 	snop  }
0x7: {  	_ = 	snop  }
__scs_overlays_trampoline_lowered:
0x8: {  	[smem:$0x3FAB] =	sst s0  }
0x9: {  	[smem:$0x3FAC] =	sst s1  }
0xa: {  	[smem:$0x3FAD] =	sst s2  }
0xb: {  	[smem:$0x3FAE] =	sst s3  }
0xc: {  	[smem:$0x3FAF] =	sst s4  }
0xd: {  	[smem:$0x3FB0] =	sst s5  }
0xe: {  	[smem:$0x3FB1] =	sst s6  }
0xf: {  	[smem:$0x3FB2] =	sst s7  }
0x10: {  	[smem:$0x3FB3] =	sst s8  }
0x11: {  	[smem:$0x3FB4] =	sst s9;
	s0 =	simm.s32 @!p0 $0x0  }
0x12: {  	s1 =	sld [smem:$0x3F9A];
	s0 =	simm.s32 @p0 $0x1  }
0x13: {  	[smem:$0x3FB5] =	sst s0;
	s0 =	simm.s32 @!p1 $0x0  }
0x14: {  	s2 =	sld [smem:$0x3F99];
	s0 =	simm.s32 @p1 $0x1  }
0x15: {  	[smem:$0x3FB6] =	sst s0;
	s0 =	simm.s32 @!p2 $0x0  }
0x16: {  	s3 =	sld [smem:$0x3FDB];
	s0 =	simm.s32 @p2 $0x1  }
0x17: {  	s4 =	simm.s32 $0x1BF5;
	[smem:$0x3FB8] =	sst s0  }
0x18: {  	s0 =	sld [smem:$0x3F9B];
	_ =	swait.ge [sflag:s4], $0x0  }
0x19: {  	s7 =	sld [smem:$0x3F9C]  }
0x1a: {  	s8 =	sadd.s32 $0xFFFFE003, lr  }
0x1b: {  	s9 =	sadd.s32 $0xFFFFFEF7, lr;
	s5 =	simm.s32 $0xFFFFFFFF;
	p2 =	slt.u32 s8, $0xFFFFF086  }
0x1c: {  	p1 =	slt.u32 s9, $0xF7A;
	s5 =	simm.s32 @!p2 $0x0  }
0x1d: {  	s5 =	simm.s32 @p1 $0x1;
	p0 =	seq.s32 s7, s2  }
0x1e: {  	s7 =	smul.u32 @!p0 $0xF7A, s2;
	p2 =	seq.s32 @!p0 s5, $0x0  }
0x1f: {  	s9 =	smul.u32 $0xF7A, s1;
	s8 =	simm.s32 @!p0 $0x1BF5;
	p2 =	por !p2, p0  }
0x20: {  	[sflag:s8] =	ssyncset.s32 @!p0 $0xFFFFF086;
	s6 =	sadd.s32 @!p0 s3, s7;
	s7 =	simm.s32 @!p0 $0x108  }
0x21: {  	s3 =	sadd.s32 s3, s9;
	s6 =	sadd.s32 @!p0 $0x88, s6;
	s7 =	simm.s32 @p2 $0x1082  }
0x22: {  	[simem:s7], [sflag:s8] =	dma.local @!p0 [hbm:s6], $0xF7A  }
0x23: {  	s9 =	sor.u32 $0xD0000000, s2;
	s6 =	simm.s32 $0x108;
	_ =	swait.ge @!p0 [sflag:s8], $0x0  }
0x24: {  	s3 =	sadd.s32 $0x88, s3;
	s6 =	simm.s32 @!p1 $0x1082;
	[sflag:s4] =	ssyncset.s32 $0xFFFFF086  }
0x25: {  	[simem:s6], [sflag:s4] =	dma.local [hbm:s3], $0xF7A  }
0x26: {  	[smem:$0x3F9C] =	sst s1;
	(tag) =	ssettag s2;
	_ =	strace s9  }
0x27: {  	s1 =	sld [smem:$0x3FAC]  }
0x28: {  	s2 =	sld [smem:$0x3FAD]  }
0x29: {  	s4 =	sld [smem:$0x3FAF]  }
0x2a: {  	p0 =	seq.s32 s5, $0x0;
	s5 =	sld [smem:$0x3FB0]  }
0x2b: {  	s6 =	sld [smem:$0x3FB1]  }
0x2c: {  	s7 =	sld [smem:$0x3FB2]  }
0x2d: {  	s3 =	simm.s32 $0x108;
	s8 =	sld [smem:$0x3FB3]  }
0x2e: {  	s3 =	simm.s32 @!p0 $0x1082;
	s9 =	sld [smem:$0x3FB4]  }
0x2f: {  	lr =	sadd.s32 s0, s3;
	s0 =	sld [smem:$0x3FAB]  }
0x30: {  	s3 =	sld [smem:$0x3FAE]  }
0x31: {  	[smem:$0x3FB7] =	sst s10  }
0x32: {  	s10 =	sld [smem:$0x3FB5];
	_ =	sdelay $0x3  }
0x33: {  	p0 =	seq.s32 s10, $0x1;
	s10 =	sld [smem:$0x3FB7];
	_ =	sdelay $0x3  }
0x34: {  	[smem:$0x3FB7] =	sst s10  }
0x35: {  	s10 =	sld [smem:$0x3FB6];
	_ =	sdelay $0x3  }
0x36: {  	p1 =	seq.s32 s10, $0x1;
	s10 =	sld [smem:$0x3FB7];
	_ =	sdelay $0x3  }
0x37: {  	[smem:$0x3FB7] =	sst s10  }
0x38: {  	s10 =	sld [smem:$0x3FB8]  }
0x39: {  	_ = 	snop;
	(pc) =	sbr.ind lr, $3  }
0x3a: {  	_ = 	snop  }
0x3b: {  	_ = 	snop  }
0x3c: {  	p2 =	seq.s32 s10, $0x1;
	s10 =	sld [smem:$0x3FB7]  }
0x3d: {  	_ =	shalt  }
0x3e: {  	_ =	shalt  }
0x3f: {  	_ =	shalt  }
0x40: {  	_ =	shalt  }
0x41: {  	_ =	shalt  }
0x42: {  	_ =	shalt  }
0x43: {  	_ =	shalt  }
0x44: {  	_ =	shalt  }
0x45: {  	_ =	shalt  }
0x46: {  	_ =	shalt  }
0x47: {  	_ =	shalt  }
0x48: {  	_ =	shalt  }
0x49: {  	_ =	shalt  }
0x4a: {  	_ =	shalt  }
0x4b: {  	_ =	shalt  }
0x4c: {  	_ =	shalt  }
0x4d: {  	_ =	shalt  }
0x4e: {  	_ =	shalt  }
0x4f: {  	_ =	shalt  }
0x50: {  	_ =	shalt  }
0x51: {  	_ =	shalt  }
0x52: {  	_ =	shalt  }
0x53: {  	_ =	shalt  }
0x54: {  	_ =	shalt  }
0x55: {  	_ =	shalt  }
0x56: {  	_ =	shalt  }
0x57: {  	_ =	shalt  }
0x58: {  	_ =	shalt  }
0x59: {  	_ =	shalt  }
0x5a: {  	_ =	shalt  }
0x5b: {  	_ =	shalt  }
0x5c: {  	_ =	shalt  }
0x5d: {  	_ =	shalt  }
0x5e: {  	_ =	shalt  }
0x5f: {  	_ =	shalt  }
0x60: {  	_ =	shalt  }
0x61: {  	_ =	shalt  }
0x62: {  	_ =	shalt  }
0x63: {  	_ =	shalt  }
0x64: {  	_ =	shalt  }
0x65: {  	_ =	shalt  }
0x66: {  	_ =	shalt  }
0x67: {  	_ =	shalt  }
0x68: {  	_ =	shalt  }
0x69: {  	_ =	shalt  }
0x6a: {  	_ =	shalt  }
0x6b: {  	_ =	shalt  }
0x6c: {  	_ =	shalt  }
0x6d: {  	_ =	shalt  }
0x6e: {  	_ =	shalt  }
0x6f: {  	_ =	shalt  }
0x70: {  	_ =	shalt  }
0x71: {  	_ =	shalt  }
0x72: {  	_ =	shalt  }
0x73: {  	_ =	shalt  }
0x74: {  	_ =	shalt  }
0x75: {  	_ =	shalt  }
0x76: {  	_ =	shalt  }
0x77: {  	_ =	shalt  }
0x78: {  	_ =	shalt  }
0x79: {  	_ =	shalt  }
0x7a: {  	_ =	shalt  }
0x7b: {  	_ =	shalt  }
0x7c: {  	_ =	shalt  }
0x7d: {  	_ =	shalt  }
0x7e: {  	_ =	shalt  }
0x7f: {  	_ =	shalt  }
0x80: {  	_ =	shalt  }
0x81: {  	_ =	shalt  }
0x82: {  	_ =	shalt  }
0x83: {  	_ =	shalt  }
0x84: {  	_ =	shalt  }
0x85: {  	_ =	shalt  }
0x86: {  	_ =	shalt  }
0x87: {  	_ =	shalt  }
.Lfunc_end0:
.L_simem_size_0:
called_computation_lowered:
.L_overlay_start_0:
0x88: {  	s2 =	sld [smem:$0x3FD9]  }
0x89: {  	s3 =	sld [smem:$0x3FFE];
	_ =	sdelay $0x1  }
0x8a: {  	s1 =	srdreg.scid  }
0x8b: {  	s0 =	sand.u32 $0x1, s1  }
0x8c: {  	s17 =	sshll.u32 s0, $0xA;
	s2 =	sadd.s32 s3, s2  }
0x8d: {  	s2 =	sadd.s32 s2, s17  }
0x8e: {  	[smem:$0x3FC3] =	sst s2  }
0x8f: {  	_ = 	snop  }
0x90: {  	s2 =	sld [smem:$0x3FC8];
	(tm) =	ssettm $0x1  }
0x91: {  	s18 =	sld [smem:$0x3FFB];
	_ =	sdelay $0x3  }
0x92: {  	_ =	strace s18  }
0x93: {  	s3 =	sld [smem:$0x3FFC];
	_ =	sdelay $0x3  }
0x94: {  	_ =	strace s3  }
0x95: {  	s3 =	sld [smem:$0x3FFD];
	_ =	sdelay $0x3  }
0x96: {  	_ =	strace s3  }
0x97: {  	_ =	strace $0x8FFFFFFF  }
0x98: {  	s19 =	sld [smem:$0x3FDB];
	_ =	sdelay $0x1  }
0x99: {  	s4 =	simm.s32 $_scs_section_size  }
0x9a: {  	s5 =	simm.s32 $_size__tile_overlayer_lowered;
	s6 =	simm.s32 $_tile_overlayer_lowered  }
0x9b: {  	s22 =	simm.s32 $0x1BFF;
	s21 =	sshll.u32 s6, $0x1;
	s3 =	sadd.s32 s4, s19  }
0x9c: {  	s7 =	simm.s32 $0x0;
	s20 =	sshll.u32 s5, $0x1;
	s5 =	sadd.s32 s21, s3  }
0x9d: {  	[timem:s7], [sflag:s22] =	dma.local [hbm:s5], s20  }
0x9e: {  	_ =	swait.ge [sflag:s22], s20  }
0x9f: {  	s4 =	ssub.s32 $0x0, s20;
	[sflag:s22] =	ssyncset.done $0x0  }
0xa0: {  	[sflag:s22] =	ssyncadd.s32 s4;
	_ =	sdelay $0x1  }
0xa1: {  	s23 =	simm.s32 $0x1B8B  }
0xa2: {  	_ =	swait.ge [sflag:s23], $0x1  }
0xa3: {  	[sflag:s23] =	ssyncset.done $0x0  }
0xa4: {  	s25 =	simm.s32 $0x1B8E;
	s24 =	sld [smem:$0x3FFE];
	[sflag:s23] =	ssyncadd.s32 $0xFFFFFFFF  }
0xa5: {  	s26 =	simm.s32 $execute0_lowered;
	[smem:$0x3FD2] =	sst s25  }
0xa6: {  	s5 =	sshll.u32 s26, $0x1;
	_ =	strace $0x80000046;
	[dreg:$0x1] =	wrdreg $0xFFFFFFFF  }
0xa7: {  	s28 =	simm.s32 $_size_execute0_lowered;
	s3 =	sadd.s32 s3, s5;
	[dreg:$0x0] =	wrdreg $0x0  }
0xa8: {  	s5 =	sshll.u32 s28, $0x1;
	[dreg:$0x2] =	wrdreg s3  }
0xa9: {  	[dreg:$0x3] =	wrdreg s5  }
0xaa: {  	[dreg:$0x4] =	wrdreg $0xC0  }
0xab: {  	_ =	task [dreg:s7], $0x5FFFF  }
0xac: {  	[dreg:$0x1] =	wrdreg $0xFFFFFFFF  }
0xad: {  	[dreg:$0x0] =	wrdreg $0x60  }
0xae: {  	[dreg:$0x2] =	wrdreg s2  }
0xaf: {  	[dreg:$0x3] =	wrdreg s24  }
0xb0: {  	[dreg:$0x4] =	wrdreg $0x9  }
0xb1: {  	_ =	task.clear_ibuf [dreg:s7], $0x5FFFF;
	_ =	strace $0x90000046  }
0xb2: {  	s29 =	simm.s32 $0x9;
	_ =	strace $0x80000048  }
0xb3: {  	_ =	swait.ge [sflag:s29], $0x1  }
0xb4: {  	[sflag:s29] =	ssyncadd.s32 $0xFFFFFFFF  }
0xb5: {  	_ =	strace $0x90000048  }
0xb6: {  	_ =	sfence  }
0xb7: {  	s30 =	sld [smem:$0x0];
	_ =	sdelay $0x2  }
0xb8: {  	s31 =	sshll.u32 s1, $0xD;
	s1 =	sshrl.u32 s1, $0x2  }
0xb9: {  	s3 =	sand.u32 $0x4000, s31;
	s1 =	sadd.s32 s1, s30  }
0xba: {  	s0 =	sor.u32 s3, s0;
	s1 =	sshll.u32 s1, $0x11  }
0xbb: {  	s0 =	sor.u32 s1, s0  }
0xbc: {  	s0 =	sadd.s32 $0x8F2B, s0  }
0xbd: {  	[sflag:s0] =	ssyncadd.remote.s32 $0x1  }
0xbe: {  	_ =	sfence.sel $0xFFFF  }
0xbf: {  	[dreg:$0x0] =	wrdreg $0xFFFFFFFF;
	(pc) =	sbr.abs _section_cstart, $3  }
0xc0: {  	[dreg:$0x1] =	wrdreg $0xFFFFFFFF  }
0xc1: {  	_ =	task.clear_ibuf [dreg:s7], $0x2FFFF;
	_ =	strace $0x9FFFFFFF  }
0xc2: {  	(tm) =	ssettm $0x7FFFFFFF  }
0xc3: {  	_ =	shalt  }
tec
execute0_lowered:
.L_overlay_start_1:
0x0: {  	(tag) =	ssettag $0x1  }
0x1: {  	s2 =	rddreg [dreg:$0x0]  }
0x2: {  	s0 =	rddreg [dreg:$0x1]  }
0x3: {  	s1 =	srdreg.scid;
	s4 =	stileid.u32  }
0x4: {  	s3 =	simm.s32 $0x0;
	s8 =	simm.s32 $0x5;
	s9 =	simm.s32 $0x64  }
0x5: {  	s15 =	simm.s32 $0x180;
	s16 =	simm.s32 $0xB600;
	s17 =	simm.s32 $0x400  }
0x6: {  	s18 =	simm.s32 $0x200;
	s19 =	simm.s32 $0xE800;
	s20 =	simm.s32 $0x280  }
0x7: {  	s21 =	simm.s32 $0x11A00;
	s22 =	simm.s32 $0x300;
	s23 =	simm.s32 $0x14C00  }
0x8: {  	s24 =	simm.s32 $0x380;
	s25 =	simm.s32 $0x17E00;
	s26 =	simm.s32 $0x1  }
0x9: {  	s28 =	simm.s32 $0x2;
	s29 =	simm.s32 $0x3;
	s30 =	simm.s32 $0x4  }
0xa: {  	s1 =	sand.u32 $0x1, s1;
	s4 =	sshll.u32 s4, $0x1;
	[smem:$0x7FF] =	sst s3  }
0xb: {  	s31 =	simm.s32 $0x1B000;
	s4 =	sor.u32 s1, s4;
	_ =	strace $0x80000047  }
0xc: {  	s1 =	ssub.s32 $0x2, s1;
	s5 =	sshll.u32 s4, $0xA;
	s4 =	sshll.u32 s4, $0x9  }
0xd: {  	s6 =	sshrl.u32 s1, $0x1;
	s5 =	sadd.s32 s5, s0;
	s0 =	sadd.s32 s4, s0  }
0xe: {  	s1 =	ssub.s32 s1, s6;
	s4 =	sadd.s32 $0xC00, s5;
	s5 =	sadd.s32 $0xC80, s5  }
0xf: {  	s6 =	sadd.s32 $0x8C00, s0;
	s7 =	smax.u32 s1, $0x1;
	s0 =	simm.s32 $0x0  }
.LBB2_1:
0x10: {  	[tilespmem:s3], [sflag:$0x5] =	stream.linear.gather [hbm4b:s4+s3], $0x400, $0x38;
	[tilespmem:$0x1C000] =	vst v63  }
0x11: {  	_ =	swait.ge [sflag:s8], $0x400  }
0x12: {  	[sflag:s8] =	ssyncset.done $0x0  }
0x13: {  	s1 =	simm.s32 $0x2000;
	[sflag:s8] =	ssyncadd.s32 $0xFFFFFC00  }
0x14: {  	[tilespmem:s1], [sflag:$0x1] =	stream.indirect.gather [hbm4b:s2+s9], $0x80, s3, s9, $0xb8;
	[tilespmem:$0x1C000] =	vst v63  }
0x15: {  	s12 =	simm.s32 $0x80;
	s10 =	simm.s32 $0x5200  }
0x16: {  	[tilespmem:s10], [sflag:$0x1] =	stream.indirect.gather [hbm4b:s2+s9], $0x80, s12, s9, $0xb8;
	[tilespmem:$0x1C000] =	vst v63  }
0x17: {  	s13 =	simm.s32 $0x100;
	s14 =	simm.s32 $0x8400  }
0x18: {  	[tilespmem:s14], [sflag:$0x2] =	stream.indirect.gather [hbm4b:s2+s9], $0x80, s13, s9, $0xb8;
	[tilespmem:$0x1C000] =	vst v63  }
0x19: {  	_ = 	snop  }
0x1a: {  	[tilespmem:s16], [sflag:$0x2] =	stream.indirect.gather [hbm4b:s2+s9], $0x80, s15, s9, $0xb8;
	[tilespmem:$0x1C000] =	vst v63  }
0x1b: {  	_ = 	snop  }
0x1c: {  	[tilespmem:s17], [sflag:$0x5] =	stream.linear.gather [hbm4b:s5+s3], $0x1C00, $0x38;
	[tilespmem:$0x1C000] =	vst v63  }
0x1d: {  	_ =	swait.ge [sflag:s8], $0x1C00  }
0x1e: {  	[sflag:s8] =	ssyncset.done $0x0  }
0x1f: {  	[sflag:s8] =	ssyncadd.s32 $0xFFFFE400  }
0x20: {  	[tilespmem:s19], [sflag:$0x3] =	stream.indirect.gather [hbm4b:s2+s9], $0x80, s18, s9, $0xb8;
	[tilespmem:$0x1C000] =	vst v63  }
0x21: {  	_ = 	snop  }
0x22: {  	[tilespmem:s21], [sflag:$0x3] =	stream.indirect.gather [hbm4b:s2+s9], $0x80, s20, s9, $0xb8;
	[tilespmem:$0x1C000] =	vst v63  }
0x23: {  	_ = 	snop  }
0x24: {  	[tilespmem:s23], [sflag:$0x4] =	stream.indirect.gather [hbm4b:s2+s9], $0x80, s22, s9, $0xb8;
	[tilespmem:$0x1C000] =	vst v63  }
0x25: {  	s1 =	simm.s32 $0x0  }
0x26: {  	[tilespmem:s25], [sflag:$0x4] =	stream.indirect.gather [hbm4b:s2+s9], $0x80, s24, s9, $0xb8;
	[tilespmem:$0x1C000] =	vst v63  }
.LBB2_2:
0x27: {  	p0 =	seq.s32 s1, $0x7  }
0x28: {  	_ =	swait.ge [sflag:s26], $0x6400;
	s10 =	sshll.u32 @!p0 s1, $0xA  }
0x29: {  	[sflag:s26] =	ssyncset.done $0x0;
	s12 =	simm.s32 @!p0 $0x64;
	s11 =	sand.u32 @!p0 $0x3FFFFC00, s10  }
0x2a: {  	s13 =	simm.s32 @!p0 $0x2000;
	[sflag:s26] =	ssyncadd.s32 $0xFFFF9C00;
	s10 =	sadd.s32 @!p0 $0x400, s11  }
0x2b: {  	[tilespmem:s13], [sflag:$0x1] =	stream.indirect.gather @!p0 [hbm4b:s2+s12], $0x80, s10, s12, $0xb8;
	[tilespmem:$0x1C000] =	vst v63  }
0x2c: {  	s14 =	simm.s32 $0x2080;
	s10 =	sadd.s32 @!p0 $0x480, s11;
	s13 =	simm.s32 @!p0 $0x5200  }
0x2d: {  	[tilespmem:s13], [sflag:$0x1] =	stream.indirect.gather @!p0 [hbm4b:s2+s12], $0x80, s10, s12, $0xb8;
	[tilespmem:$0x1C000] =	vst v63  }
0x2e: {  	v5 =	vld [tilespmem:s14+$0x0]  }
0x2f: {  	v6 =	vld [tilespmem:s14+$0x10]  }
0x30: {  	v2 =	vld [tilespmem:s14+$0x20]  }
0x31: {  	v3 =	vld [tilespmem:s14+$0x30]  }
0x32: {  	v4 =	vld [tilespmem:s14+$0x40]  }
0x33: {  	v1 =	vld [tilespmem:s14+$0x50]  }
0x34: {  	v0 =	vld [tilespmem:s14+$0x60]  }
0x35: {  	v8 =	vld [tilespmem:s14+$0xFFFFFF80]  }
0x36: {  	v9 =	vld [tilespmem:s14+$0xFFFFFF90]  }
0x37: {  	v18 =	vld [tilespmem:s14+$0xFFFFFFA0]  }
0x38: {  	v19 =	vld [tilespmem:s14+$0xFFFFFFB0]  }
0x39: {  	v17 =	vld [tilespmem:s14+$0xFFFFFFC0]  }
0x3a: {  	v13 =	vld [tilespmem:s14+$0xFFFFFFD0]  }
0x3b: {  	v7 =	vimm.f32 $-Inf;
	v12 =	vimm.f32 $-Inf;
	v14 =	vld [tilespmem:s14+$0xFFFFFFE0]  }
0x3c: {  	v10 =	vimm.f32 $-Inf;
	v11 =	vimm.f32 $-Inf;
	v15 =	vld [tilespmem:s14+$0xFFFFFFF0];
	v21 =	vmax.f32 v7, v8  }
0x3d: {  	s10 =	simm.s32 $0x0;
	s12 =	simm.s32 $0x2180;
	v16 =	vld [tilespmem:s14+$0x70];
	v20 =	vmax.f32 v7, v9;
	v9 =	vimm.f32 $-Inf;
	v8 =	vimm.f32 $-Inf  }
.LBB2_3:
0x3e: {  	v21 =	vmax.f32 v21, v5;
	v5 =	vld [tilespmem:s12+$0x0];
	v20 =	vmax.f32 v20, v6  }
0x3f: {  	v7 =	vmax.f32 v7, v18;
	v12 =	vmax.f32 v12, v19;
	v10 =	vmax.f32 v10, v17;
	v6 =	vld [tilespmem:s12+$0x10]  }
0x40: {  	v7 =	vmax.f32 v7, v2;
	v12 =	vmax.f32 v12, v3;
	v10 =	vmax.f32 v10, v4;
	v2 =	vld [tilespmem:s12+$0x20]  }
0x41: {  	v11 =	vmax.f32 v11, v13;
	v9 =	vmax.f32 v9, v14;
	v3 =	vld [tilespmem:s12+$0x30];
	v8 =	vmax.f32 v8, v15  }
0x42: {  	v11 =	vmax.f32 v11, v1;
	v9 =	vmax.f32 v9, v0;
	v4 =	vld [tilespmem:s12+$0x40];
	v8 =	vmax.f32 v8, v16  }
0x43: {  	v1 =	vld [tilespmem:s12+$0x50]  }
0x44: {  	v0 =	vld [tilespmem:s12+$0x60]  }
0x45: {  	v16 =	vld [tilespmem:s12+$0xFFFFFF80]  }
0x46: {  	v22 =	vld [tilespmem:s12+$0xFFFFFF90]  }
0x47: {  	s10 =	sadd.s32 $0x2, s10;
	v18 =	vld [tilespmem:s12+$0xFFFFFFA0]  }
0x48: {  	p1 =	slt.u32 s10, $0xC6;
	v19 =	vld [tilespmem:s12+$0xFFFFFFB0]  }
.Ltmp0:
0x49: {  	v17 =	vld [tilespmem:s12+$0xFFFFFFC0];
	(pc) =	sbr.rel @p1 .LBB2_3-.Ltmp0, $4  }
0x4a: {  	v13 =	vld [tilespmem:s12+$0xFFFFFFD0]  }
0x4b: {  	v14 =	vld [tilespmem:s12+$0xFFFFFFE0]  }
0x4c: {  	v15 =	vld [tilespmem:s12+$0xFFFFFFF0]  }
0x4d: {  	v21 =	vmax.f32 v21, v16;
	v20 =	vmax.f32 v20, v22;
	v16 =	vld [tilespmem:s12+$0x70];
	s12 =	sadd.s32 $0x100, s12  }
0x4e: {  	s10 =	sshll.u32 s1, $0x9  }
0x4f: {  	v5 =	vmax.f32 v21, v5;
	s10 =	sand.u32 $0x3FFFFE00, s10  }
0x50: {  	v6 =	vmax.f32 v20, v6;
	v7 =	vmax.f32 v7, v18;
	[tilespmem:s10+$0x1B000] =	vst v5  }
0x51: {  	v2 =	vmax.f32 v7, v2;
	v5 =	vmax.f32 v12, v19;
	[tilespmem:s10+$0x1B010] =	vst v6  }
0x52: {  	v6 =	vmax.f32 v10, v17;
	[tilespmem:s10+$0x1B020] =	vst v2;
	v3 =	vmax.f32 v5, v3  }
0x53: {  	v2 =	vmax.f32 v6, v4;
	v4 =	vmax.f32 v11, v13;
	[tilespmem:s10+$0x1B030] =	vst v3  }
0x54: {  	v3 =	vmax.f32 v9, v14;
	v1 =	vmax.f32 v4, v1;
	[tilespmem:s10+$0x1B040] =	vst v2  }
0x55: {  	v2 =	vmax.f32 v8, v15;
	v0 =	vmax.f32 v3, v0;
	[tilespmem:s10+$0x1B050] =	vst v1  }
0x56: {  	v1 =	vmax.f32 v2, v16;
	[tilespmem:s10+$0x1B060] =	vst v0  }
0x57: {  	[tilespmem:s10+$0x1B070] =	vst v1  }
0x58: {  	_ =	swait.ge [sflag:s28], $0x6400  }
0x59: {  	s12 =	sadd.s32 @!p0 $0x500, s11;
	[sflag:s28] =	ssyncset.done $0x0  }
0x5a: {  	s13 =	simm.s32 @!p0 $0x64;
	s14 =	simm.s32 @!p0 $0x8400;
	[sflag:s28] =	ssyncadd.s32 $0xFFFF9C00  }
0x5b: {  	[tilespmem:s14], [sflag:$0x2] =	stream.indirect.gather @!p0 [hbm4b:s2+s13], $0x80, s12, s13, $0xb8;
	[tilespmem:$0x1C000] =	vst v63  }
0x5c: {  	s12 =	sadd.s32 @!p0 $0x580, s11;
	s14 =	simm.s32 @!p0 $0xB600  }
0x5d: {  	[tilespmem:s14], [sflag:$0x2] =	stream.indirect.gather @!p0 [hbm4b:s2+s13], $0x80, s12, s13, $0xb8;
	[tilespmem:$0x1C000] =	vst v63  }
0x5e: {  	s14 =	simm.s32 $0x8480  }
0x5f: {  	v4 =	vld [tilespmem:s14+$0x0]  }
0x60: {  	v6 =	vld [tilespmem:s14+$0x10]  }
0x61: {  	v2 =	vld [tilespmem:s14+$0x20]  }
0x62: {  	v3 =	vld [tilespmem:s14+$0x30]  }
0x63: {  	v5 =	vld [tilespmem:s14+$0x40]  }
0x64: {  	v1 =	vld [tilespmem:s14+$0x50]  }
0x65: {  	v0 =	vld [tilespmem:s14+$0x60]  }
0x66: {  	v8 =	vld [tilespmem:s14+$0xFFFFFF80]  }
0x67: {  	v9 =	vld [tilespmem:s14+$0xFFFFFF90]  }
0x68: {  	v18 =	vld [tilespmem:s14+$0xFFFFFFA0]  }
0x69: {  	v19 =	vld [tilespmem:s14+$0xFFFFFFB0]  }
0x6a: {  	v17 =	vld [tilespmem:s14+$0xFFFFFFC0]  }
0x6b: {  	v13 =	vld [tilespmem:s14+$0xFFFFFFD0]  }
0x6c: {  	v7 =	vimm.f32 $-Inf;
	v12 =	vimm.f32 $-Inf;
	v14 =	vld [tilespmem:s14+$0xFFFFFFE0]  }
0x6d: {  	v10 =	vimm.f32 $-Inf;
	v11 =	vimm.f32 $-Inf;
	v15 =	vld [tilespmem:s14+$0xFFFFFFF0];
	v20 =	vmax.f32 v7, v8  }
0x6e: {  	s12 =	simm.s32 $0x0;
	s13 =	simm.s32 $0x8580;
	v16 =	vld [tilespmem:s14+$0x70];
	v21 =	vmax.f32 v7, v9;
	v9 =	vimm.f32 $-Inf;
	v8 =	vimm.f32 $-Inf  }
.LBB2_5:
0x6f: {  	v20 =	vmax.f32 v20, v4;
	v4 =	vld [tilespmem:s13+$0x0];
	v21 =	vmax.f32 v21, v6  }
0x70: {  	v7 =	vmax.f32 v7, v18;
	v12 =	vmax.f32 v12, v19;
	v10 =	vmax.f32 v10, v17;
	v6 =	vld [tilespmem:s13+$0x10]  }
0x71: {  	v7 =	vmax.f32 v7, v2;
	v12 =	vmax.f32 v12, v3;
	v10 =	vmax.f32 v10, v5;
	v2 =	vld [tilespmem:s13+$0x20]  }
0x72: {  	v11 =	vmax.f32 v11, v13;
	v9 =	vmax.f32 v9, v14;
	v3 =	vld [tilespmem:s13+$0x30];
	v8 =	vmax.f32 v8, v15  }
0x73: {  	v11 =	vmax.f32 v11, v1;
	v9 =	vmax.f32 v9, v0;
	v5 =	vld [tilespmem:s13+$0x40];
	v8 =	vmax.f32 v8, v16  }
0x74: {  	v1 =	vld [tilespmem:s13+$0x50]  }
0x75: {  	v0 =	vld [tilespmem:s13+$0x60]  }
0x76: {  	v16 =	vld [tilespmem:s13+$0xFFFFFF80]  }
0x77: {  	v22 =	vld [tilespmem:s13+$0xFFFFFF90]  }
0x78: {  	s12 =	sadd.s32 $0x2, s12;
	v18 =	vld [tilespmem:s13+$0xFFFFFFA0]  }
0x79: {  	p1 =	slt.u32 s12, $0xC6;
	v19 =	vld [tilespmem:s13+$0xFFFFFFB0]  }
.Ltmp1:
0x7a: {  	v17 =	vld [tilespmem:s13+$0xFFFFFFC0];
	(pc) =	sbr.rel @p1 .LBB2_5-.Ltmp1, $4  }
0x7b: {  	v13 =	vld [tilespmem:s13+$0xFFFFFFD0]  }
0x7c: {  	v14 =	vld [tilespmem:s13+$0xFFFFFFE0]  }
0x7d: {  	v15 =	vld [tilespmem:s13+$0xFFFFFFF0]  }
0x7e: {  	v20 =	vmax.f32 v20, v16;
	v21 =	vmax.f32 v21, v22;
	v16 =	vld [tilespmem:s13+$0x70];
	s13 =	sadd.s32 $0x100, s13  }
0x7f: {  	v4 =	vmax.f32 v20, v4  }
0x80: {  	v6 =	vmax.f32 v21, v6;
	v7 =	vmax.f32 v7, v18;
	[tilespmem:s10+$0x1B080] =	vst v4  }
0x81: {  	v4 =	vmax.f32 v12, v19;
	v2 =	vmax.f32 v7, v2;
	[tilespmem:s10+$0x1B090] =	vst v6  }
0x82: {  	v6 =	vmax.f32 v10, v17;
	v3 =	vmax.f32 v4, v3;
	[tilespmem:s10+$0x1B0A0] =	vst v2  }
0x83: {  	v2 =	vmax.f32 v6, v5;
	v4 =	vmax.f32 v11, v13;
	[tilespmem:s10+$0x1B0B0] =	vst v3  }
0x84: {  	v3 =	vmax.f32 v9, v14;
	v1 =	vmax.f32 v4, v1;
	[tilespmem:s10+$0x1B0C0] =	vst v2  }
0x85: {  	v2 =	vmax.f32 v8, v15;
	v0 =	vmax.f32 v3, v0;
	[tilespmem:s10+$0x1B0D0] =	vst v1  }
0x86: {  	v1 =	vmax.f32 v2, v16;
	[tilespmem:s10+$0x1B0E0] =	vst v0  }
0x87: {  	[tilespmem:s10+$0x1B0F0] =	vst v1  }
0x88: {  	_ =	swait.ge [sflag:s29], $0x6400  }
0x89: {  	s12 =	sadd.s32 @!p0 $0x600, s11;
	[sflag:s29] =	ssyncset.done $0x0  }
0x8a: {  	s13 =	simm.s32 @!p0 $0x64;
	s14 =	simm.s32 @!p0 $0xE800;
	[sflag:s29] =	ssyncadd.s32 $0xFFFF9C00  }
0x8b: {  	[tilespmem:s14], [sflag:$0x3] =	stream.indirect.gather @!p0 [hbm4b:s2+s13], $0x80, s12, s13, $0xb8;
	[tilespmem:$0x1C000] =	vst v63  }
0x8c: {  	s12 =	sadd.s32 @!p0 $0x680, s11;
	s14 =	simm.s32 @!p0 $0x11A00  }
0x8d: {  	[tilespmem:s14], [sflag:$0x3] =	stream.indirect.gather @!p0 [hbm4b:s2+s13], $0x80, s12, s13, $0xb8;
	[tilespmem:$0x1C000] =	vst v63  }
0x8e: {  	s14 =	simm.s32 $0xE880  }
0x8f: {  	v4 =	vld [tilespmem:s14+$0x0]  }
0x90: {  	v6 =	vld [tilespmem:s14+$0x10]  }
0x91: {  	v2 =	vld [tilespmem:s14+$0x20]  }
0x92: {  	v3 =	vld [tilespmem:s14+$0x30]  }
0x93: {  	v5 =	vld [tilespmem:s14+$0x40]  }
0x94: {  	v1 =	vld [tilespmem:s14+$0x50]  }
0x95: {  	v0 =	vld [tilespmem:s14+$0x60]  }
0x96: {  	v8 =	vld [tilespmem:s14+$0xFFFFFF80]  }
0x97: {  	v9 =	vld [tilespmem:s14+$0xFFFFFF90]  }
0x98: {  	v18 =	vld [tilespmem:s14+$0xFFFFFFA0]  }
0x99: {  	v19 =	vld [tilespmem:s14+$0xFFFFFFB0]  }
0x9a: {  	v17 =	vld [tilespmem:s14+$0xFFFFFFC0]  }
0x9b: {  	v13 =	vld [tilespmem:s14+$0xFFFFFFD0]  }
0x9c: {  	v7 =	vimm.f32 $-Inf;
	v12 =	vimm.f32 $-Inf;
	v14 =	vld [tilespmem:s14+$0xFFFFFFE0]  }
0x9d: {  	v10 =	vimm.f32 $-Inf;
	v11 =	vimm.f32 $-Inf;
	v15 =	vld [tilespmem:s14+$0xFFFFFFF0];
	v20 =	vmax.f32 v7, v8  }
0x9e: {  	s12 =	simm.s32 $0x0;
	s13 =	simm.s32 $0xE980;
	v16 =	vld [tilespmem:s14+$0x70];
	v21 =	vmax.f32 v7, v9;
	v9 =	vimm.f32 $-Inf;
	v8 =	vimm.f32 $-Inf  }
.LBB2_7:
0x9f: {  	v20 =	vmax.f32 v20, v4;
	v4 =	vld [tilespmem:s13+$0x0];
	v21 =	vmax.f32 v21, v6  }
0xa0: {  	v7 =	vmax.f32 v7, v18;
	v12 =	vmax.f32 v12, v19;
	v10 =	vmax.f32 v10, v17;
	v6 =	vld [tilespmem:s13+$0x10]  }
0xa1: {  	v7 =	vmax.f32 v7, v2;
	v12 =	vmax.f32 v12, v3;
	v10 =	vmax.f32 v10, v5;
	v2 =	vld [tilespmem:s13+$0x20]  }
0xa2: {  	v11 =	vmax.f32 v11, v13;
	v9 =	vmax.f32 v9, v14;
	v3 =	vld [tilespmem:s13+$0x30];
	v8 =	vmax.f32 v8, v15  }
0xa3: {  	v11 =	vmax.f32 v11, v1;
	v9 =	vmax.f32 v9, v0;
	v5 =	vld [tilespmem:s13+$0x40];
	v8 =	vmax.f32 v8, v16  }
0xa4: {  	v1 =	vld [tilespmem:s13+$0x50]  }
0xa5: {  	v0 =	vld [tilespmem:s13+$0x60]  }
0xa6: {  	v16 =	vld [tilespmem:s13+$0xFFFFFF80]  }
0xa7: {  	v22 =	vld [tilespmem:s13+$0xFFFFFF90]  }
0xa8: {  	s12 =	sadd.s32 $0x2, s12;
	v18 =	vld [tilespmem:s13+$0xFFFFFFA0]  }
0xa9: {  	p1 =	slt.u32 s12, $0xC6;
	v19 =	vld [tilespmem:s13+$0xFFFFFFB0]  }
.Ltmp2:
0xaa: {  	v17 =	vld [tilespmem:s13+$0xFFFFFFC0];
	(pc) =	sbr.rel @p1 .LBB2_7-.Ltmp2, $4  }
0xab: {  	v13 =	vld [tilespmem:s13+$0xFFFFFFD0]  }
0xac: {  	v14 =	vld [tilespmem:s13+$0xFFFFFFE0]  }
0xad: {  	v15 =	vld [tilespmem:s13+$0xFFFFFFF0]  }
0xae: {  	v20 =	vmax.f32 v20, v16;
	v21 =	vmax.f32 v21, v22;
	v16 =	vld [tilespmem:s13+$0x70];
	s13 =	sadd.s32 $0x100, s13  }
0xaf: {  	v4 =	vmax.f32 v20, v4  }
0xb0: {  	v6 =	vmax.f32 v21, v6;
	v7 =	vmax.f32 v7, v18;
	[tilespmem:s10+$0x1B100] =	vst v4  }
0xb1: {  	v4 =	vmax.f32 v12, v19;
	v2 =	vmax.f32 v7, v2;
	[tilespmem:s10+$0x1B110] =	vst v6  }
0xb2: {  	v6 =	vmax.f32 v10, v17;
	v3 =	vmax.f32 v4, v3;
	[tilespmem:s10+$0x1B120] =	vst v2  }
0xb3: {  	v2 =	vmax.f32 v6, v5;
	v4 =	vmax.f32 v11, v13;
	[tilespmem:s10+$0x1B130] =	vst v3  }
0xb4: {  	v3 =	vmax.f32 v9, v14;
	v1 =	vmax.f32 v4, v1;
	[tilespmem:s10+$0x1B140] =	vst v2  }
0xb5: {  	v2 =	vmax.f32 v8, v15;
	v0 =	vmax.f32 v3, v0;
	[tilespmem:s10+$0x1B150] =	vst v1  }
0xb6: {  	v1 =	vmax.f32 v2, v16;
	[tilespmem:s10+$0x1B160] =	vst v0  }
0xb7: {  	[tilespmem:s10+$0x1B170] =	vst v1  }
0xb8: {  	_ =	swait.ge [sflag:s30], $0x6400  }
0xb9: {  	s12 =	sadd.s32 @!p0 $0x700, s11;
	[sflag:s30] =	ssyncset.done $0x0  }
0xba: {  	s13 =	simm.s32 @!p0 $0x64;
	s14 =	simm.s32 @!p0 $0x14C00;
	[sflag:s30] =	ssyncadd.s32 $0xFFFF9C00  }
0xbb: {  	[tilespmem:s14], [sflag:$0x4] =	stream.indirect.gather @!p0 [hbm4b:s2+s13], $0x80, s12, s13, $0xb8;
	[tilespmem:$0x1C000] =	vst v63  }
0xbc: {  	s11 =	sadd.s32 @!p0 $0x780, s11;
	s12 =	simm.s32 @!p0 $0x17E00;
	s14 =	simm.s32 $0x14C80  }
0xbd: {  	[tilespmem:s12], [sflag:$0x4] =	stream.indirect.gather @!p0 [hbm4b:s2+s13], $0x80, s11, s13, $0xb8;
	[tilespmem:$0x1C000] =	vst v63  }
0xbe: {  	v4 =	vld [tilespmem:s14+$0x0]  }
0xbf: {  	v6 =	vld [tilespmem:s14+$0x10]  }
0xc0: {  	v2 =	vld [tilespmem:s14+$0x20]  }
0xc1: {  	v3 =	vld [tilespmem:s14+$0x30]  }
0xc2: {  	v5 =	vld [tilespmem:s14+$0x40]  }
0xc3: {  	v1 =	vld [tilespmem:s14+$0x50]  }
0xc4: {  	v0 =	vld [tilespmem:s14+$0x60]  }
0xc5: {  	v8 =	vld [tilespmem:s14+$0xFFFFFF80]  }
0xc6: {  	v9 =	vld [tilespmem:s14+$0xFFFFFF90]  }
0xc7: {  	v18 =	vld [tilespmem:s14+$0xFFFFFFA0]  }
0xc8: {  	v19 =	vld [tilespmem:s14+$0xFFFFFFB0]  }
0xc9: {  	v17 =	vld [tilespmem:s14+$0xFFFFFFC0]  }
0xca: {  	v13 =	vld [tilespmem:s14+$0xFFFFFFD0]  }
0xcb: {  	v7 =	vimm.f32 $-Inf;
	v12 =	vimm.f32 $-Inf;
	v14 =	vld [tilespmem:s14+$0xFFFFFFE0]  }
0xcc: {  	v10 =	vimm.f32 $-Inf;
	v11 =	vimm.f32 $-Inf;
	v15 =	vld [tilespmem:s14+$0xFFFFFFF0];
	v20 =	vmax.f32 v7, v8  }
0xcd: {  	s11 =	simm.s32 $0x0;
	s12 =	simm.s32 $0x14D80;
	v16 =	vld [tilespmem:s14+$0x70];
	v21 =	vmax.f32 v7, v9;
	v9 =	vimm.f32 $-Inf;
	v8 =	vimm.f32 $-Inf  }
.LBB2_9:
0xce: {  	v20 =	vmax.f32 v20, v4;
	v4 =	vld [tilespmem:s12+$0x0];
	v21 =	vmax.f32 v21, v6  }
0xcf: {  	v7 =	vmax.f32 v7, v18;
	v12 =	vmax.f32 v12, v19;
	v10 =	vmax.f32 v10, v17;
	v6 =	vld [tilespmem:s12+$0x10]  }
0xd0: {  	v7 =	vmax.f32 v7, v2;
	v12 =	vmax.f32 v12, v3;
	v10 =	vmax.f32 v10, v5;
	v2 =	vld [tilespmem:s12+$0x20]  }
0xd1: {  	v11 =	vmax.f32 v11, v13;
	v9 =	vmax.f32 v9, v14;
	v3 =	vld [tilespmem:s12+$0x30];
	v8 =	vmax.f32 v8, v15  }
0xd2: {  	v11 =	vmax.f32 v11, v1;
	v9 =	vmax.f32 v9, v0;
	v5 =	vld [tilespmem:s12+$0x40];
	v8 =	vmax.f32 v8, v16  }
0xd3: {  	v1 =	vld [tilespmem:s12+$0x50]  }
0xd4: {  	v0 =	vld [tilespmem:s12+$0x60]  }
0xd5: {  	v16 =	vld [tilespmem:s12+$0xFFFFFF80]  }
0xd6: {  	v22 =	vld [tilespmem:s12+$0xFFFFFF90]  }
0xd7: {  	s11 =	sadd.s32 $0x2, s11;
	v18 =	vld [tilespmem:s12+$0xFFFFFFA0]  }
0xd8: {  	p0 =	slt.u32 s11, $0xC6;
	v19 =	vld [tilespmem:s12+$0xFFFFFFB0]  }
.Ltmp3:
0xd9: {  	v17 =	vld [tilespmem:s12+$0xFFFFFFC0];
	(pc) =	sbr.rel @p0 .LBB2_9-.Ltmp3, $4  }
0xda: {  	v13 =	vld [tilespmem:s12+$0xFFFFFFD0]  }
0xdb: {  	v14 =	vld [tilespmem:s12+$0xFFFFFFE0]  }
0xdc: {  	v15 =	vld [tilespmem:s12+$0xFFFFFFF0]  }
0xdd: {  	v20 =	vmax.f32 v20, v16;
	v21 =	vmax.f32 v21, v22;
	v16 =	vld [tilespmem:s12+$0x70];
	s12 =	sadd.s32 $0x100, s12  }
0xde: {  	v4 =	vmax.f32 v20, v4  }
0xdf: {  	v6 =	vmax.f32 v21, v6;
	v7 =	vmax.f32 v7, v18;
	[tilespmem:s10+$0x1B180] =	vst v4  }
0xe0: {  	v57 =	vmax.f32 v12, v19;
	s1 =	sadd.s32 $0x1, s1;
	v2 =	vmax.f32 v7, v2;
	[tilespmem:s10+$0x1B190] =	vst v6  }
0xe1: {  	v58 =	vmax.f32 v10, v17;
	v3 =	vmax.f32 v57, v3;
	p0 =	sne.s32 s1, $0x8;
	[tilespmem:s10+$0x1B1A0] =	vst v2  }
.Ltmp4:
0xe2: {  	v59 =	vmax.f32 v58, v5;
	v60 =	vmax.f32 v11, v13;
	[tilespmem:s10+$0x1B1B0] =	vst v3;
	(pc) =	sbr.rel @p0 .LBB2_2-.Ltmp4, $4  }
0xe3: {  	v61 =	vmax.f32 v9, v14;
	v1 =	vmax.f32 v60, v1;
	[tilespmem:s10+$0x1B1C0] =	vst v59  }
0xe4: {  	v62 =	vmax.f32 v8, v15;
	v0 =	vmax.f32 v61, v0;
	[tilespmem:s10+$0x1B1D0] =	vst v1  }
0xe5: {  	v63 =	vmax.f32 v62, v16;
	[tilespmem:s10+$0x1B1E0] =	vst v0  }
0xe6: {  	[tilespmem:s10+$0x1B1F0] =	vst v63  }
0xe7: {  	s0 =	sadd.s32 $0x1, s0  }
0xe8: {  	p0 =	sne.s32 s0, s7  }
.Ltmp5:
0xe9: {  	_ = 	snop;
	(pc) =	sbr.rel @p0 .LBB2_1-.Ltmp5, $4  }
0xea: {  	[hbm4b:s6+s3] =	stream.linear.scatter [tilespmem:s31], [sflag:$0x5], $0x1000, $0x38;
	[tilespmem:$0x1C000] =	vst v63  }
0xeb: {  	_ =	swait.ge [sflag:s8], $0x1000  }
0xec: {  	[sflag:s8] =	ssyncset.done $0x0  }
0xed: {  	[sflag:s8] =	ssyncadd.s32 $0xFFFFF000  }
0xee: {  	_ =	sfence.sel $0x180000  }
0xef: {  	[bflag:$0x0] =	sbarrier.arrive $0xFFFF  }
0xf0: {  	_ =	strace $0x90000047  }
0xf1: {  	s0 =	stileid.u32;
	[bflag:$0x2] =	sbarrier.arrive $0xFFFF  }
0xf2: {  	p0 =	sne.s32 s0, $0x0;
	s0 =	rddreg [dreg:$0x2]  }
0xf3: {  	s0 =	sadd.s32 @!p0 $0x100000, s0  }
0xf4: {  	[sflag:s0] =	ssyncadd.tile.s32 @!p0 $0x1;
	_ =	shalt  }
.Lfunc_end2:
_tile_overlayer_lowered:
.L_overlay_start_2:
0xf5: {  	(tag) =	ssettag $0x2  }
0xf6: {  	s0 =	rddreg [dreg:$0x0];
	s2 =	stileid.u32  }
0xf7: {  	s1 =	rddreg [dreg:$0x1];
	p0 =	sne.s32 s2, $0x0  }
0xf8: {  	s3 =	rddreg [dreg:$0x2];
	[bflag:$0x3] =	sbarrier.arrive $0xFFFF;
	s2 =	simm.s32 @!p0 $0x1C05  }
0xf9: {  	[timem:s3], [sflag:s2] =	dma.local @!p0 [hbm:s0], s1  }
0xfa: {  	s0 =	simm.s32 @!p0 $0x5  }
0xfb: {  	_ =	swait.ge @!p0 [sflag:s0], s1  }
0xfc: {  	s1 =	ssub.s32 @!p0 $0x0, s1;
	[sflag:s0] =	ssyncset.done @!p0 $0x0  }
0xfd: {  	[sflag:s0] =	ssyncadd.s32 @!p0 s1  }
0xfe: {  	[bflag:$0x3] =	sbarrier.arrive $0xFFFF  }
0xff: {  	_ =	shalt  }

</sc_bundles>
